<compile_context>
chip_gen: v7x
topology: tpu7x:2x2x1
jax: 0.10.2.dev20260603
libtpu: 0.0.44.dev20260713+nightly
codegen_flags: <defaults>
</compile_context>

<pallas_src>
import jax
import jax.numpy as jnp
from jax import lax
from jax.experimental import pallas as pl
from jax.experimental.pallas import tpu as pltpu
from jax.experimental.pallas import tpu_sc as plsc

B, H, S, D = 16, 8, 2048, 128
ROWS = B * H
NTILE = 32
ROWS_PER_TILE = ROWS // NTILE
CH = 512
NCH = S // CH
BR = 4


def _sc_body(src, dst, bufA, bufB, sems):
    c = lax.axis_index("c")
    s = lax.axis_index("s")
    base = (c * 16 + s) * ROWS_PER_TILE
    bufs = (bufA, bufB)

    def chunk_slice(i):
        row = base + i // NCH
        off = (i % NCH) * CH
        return (row, pl.ds(off, CH), slice(None))

    def in_copy(i, b):
        return pltpu.make_async_copy(src.at[chunk_slice(i)], bufs[b], sems.at[b])

    def out_copy(i, b):
        return pltpu.make_async_copy(bufs[b], dst.at[chunk_slice(i)], sems.at[2 + b])

    n = ROWS_PER_TILE * NCH
    in_copy(0, 0).start()
    for i in range(n):
        b = i % 2
        nb = 1 - b
        in_copy(i, b).wait()
        if i + 1 < n:
            if i >= 1:
                out_copy(i - 1, nb).wait()
            in_copy(i + 1, nb).start()
        out_copy(i, b).start()
    out_copy(n - 2, n % 2).wait()
    out_copy(n - 1, (n - 1) % 2).wait()


def _tc_body(v_ref, vo_ref):
    vo_ref[...] = v_ref[...]


def _sc_copy(x):
    fn = pl.kernel(
        _sc_body,
        out_type=jax.ShapeDtypeStruct((ROWS, S, D), jnp.float32),
        mesh=plsc.VectorSubcoreMesh(core_axis_name="c", subcore_axis_name="s"),
        scratch_types=[
            pltpu.MemorySpace.VMEM((CH, D), jnp.float32),
            pltpu.MemorySpace.VMEM((CH, D), jnp.float32),
            pltpu.SemaphoreType.DMA((4,)),
        ],
    )
    return fn(x)


def _tc_copy(x):
    spec = pl.BlockSpec((BR, S, D), lambda i: (i, 0, 0))
    return pl.pallas_call(
        _tc_body,
        grid=(ROWS // BR,),
        in_specs=[spec],
        out_specs=spec,
        out_shape=jax.ShapeDtypeStruct((ROWS, S, D), jnp.float32),
    )(x)


def kernel(k_val, v_val, k_cache, v_cache):
    k2 = k_val.reshape(ROWS, S, D)
    v2 = v_val.reshape(ROWS, S, D)
    ko = _sc_copy(k2)
    vo = _tc_copy(v2)
    return ko.reshape(B, H, S, D), vo.reshape(B, H, S, D)

# --- scband reference (transcript-rebuilt; emitter-appended) ---
"""Pipeline reference for scband-kvcache-9328668967076 (READ-ONLY COPY).

The authoritative reference and input builder live on the scoring server;
editing this copy changes nothing except your own understanding.
"""

import jax, jax.numpy as jnp
import numpy as np

B, H, MAX_S, D = 16, 8, 4096, 128
S = 2048

def setup_inputs(seed: int = 0) -> dict:
    key = jax.random.key(seed)
    k1, k2 = jax.random.split(key)
    k_val = jax.random.normal(k1, (B, H, S, D), dtype=jnp.float32)
    v_val = jax.random.normal(k2, (B, H, S, D), dtype=jnp.float32)
    # buffers registered in __init__ (zero-initialized caches)
    k_cache = jnp.zeros((B, H, MAX_S, D), dtype=jnp.float32)
    v_cache = jnp.zeros((B, H, MAX_S, D), dtype=jnp.float32)
    return {"k_val": k_val, "v_val": v_val, "k_cache": k_cache, "v_cache": v_cache}

def reference(k_val, v_val, k_cache, v_cache):
    # KVCache.update with cache_pos = 0 (fresh cache)
    cache_pos = 0
    seq_len = k_val.shape[2]
    # scatter-overwrite: k_out[:, :, pos:pos+S, :] = k_val
    k_out = jax.lax.dynamic_update_slice(k_cache, k_val, (0, 0, cache_pos, 0))
    v_out = jax.lax.dynamic_update_slice(v_cache, v_val, (0, 0, cache_pos, 0))
    new_pos = cache_pos + seq_len
    return (k_out[:, :, :new_pos, :], v_out[:, :, :new_pos, :])

if __name__ == "__main__":
    import jax
    _d = setup_inputs()
    print(jax.jit(kernel)(*tuple(_d.values())))

</pallas_src>

<mosaic_0001>
#map = affine_map<(d0, d1) -> (0, 0, 0)>
module attributes {stable_mosaic.version = 14 : i64} {
  func.func @_sc_body(%arg0: i32, %arg1: i32, %arg2: memref<128x2048x128xf32, #tpu.memory_space<hbm>>, %arg3: memref<128x2048x128xf32, #tpu.memory_space<hbm>>, %arg4: memref<512x128xf32, #tpu.memory_space<vmem>>, %arg5: memref<512x128xf32, #tpu.memory_space<vmem>>, %arg6: memref<4x!tpu.dma_semaphore, #tpu.memory_space<semaphore_mem>>) attributes {dimension_semantics = [#tpu.dimension_semantics<core_parallel>, #tpu.dimension_semantics<subcore_parallel>], iteration_bounds = array<i64: 2, 16>, scalar_prefetch = 0 : i64, scratch_operands = 3 : i64, tpu.core_type = #tpu.core_type<sc_vector_subcore>, window_params = [{transform_indices = #map}, {transform_indices = #map}]} {
    %mul3A = arith.constant 16 : i32
    %mul3A_0 = arith.muli %arg0, %mul3A : i32
    %add3A = arith.addi %mul3A_0, %arg1 : i32
    %mul3A_1 = arith.constant 4 : i32
    %mul3A_2 = arith.muli %add3A, %mul3A_1 : i32
    %add3A_3 = arith.constant 0 : i32
    %add3A_4 = arith.addi %mul3A_2, %add3A_3 : i32
    %dma_start3A = arith.constant 0 : i32
    %dma_start3A_5 = arith.constant 0 : i32
    %dma_start3A_6 = arith.constant 0 : i32
    %dma_start3A_7 = tpu.memref_slice %arg2[%add3A_4, %dma_start3A_5, %dma_start3A_6] : memref<128x2048x128xf32, #tpu.memory_space<hbm>> -> memref<1x512x128xf32, #tpu.memory_space<hbm>>
    %dma_start3A_8 = tpu.memref_squeeze %dma_start3A_7 : memref<1x512x128xf32, #tpu.memory_space<hbm>> -> memref<512x128xf32, #tpu.memory_space<hbm>>
    %dma_start3A_9 = tpu.memref_slice %arg6[%dma_start3A] : memref<4x!tpu.dma_semaphore, #tpu.memory_space<semaphore_mem>> -> memref<1x!tpu.dma_semaphore, #tpu.memory_space<semaphore_mem>>
    %dma_start3A_10 = tpu.memref_squeeze %dma_start3A_9 : memref<1x!tpu.dma_semaphore, #tpu.memory_space<semaphore_mem>> -> memref<!tpu.dma_semaphore, #tpu.memory_space<semaphore_mem>>
    %dma_start3A_11 = arith.constant 0 : i32
    %dma_start3A_12 = arith.constant 0 : i32
    %dma_start3A_13 = tpu.memref_slice %arg2[%add3A_4, %dma_start3A_11, %dma_start3A_12] : memref<128x2048x128xf32, #tpu.memory_space<hbm>> -> memref<1x512x128xf32, #tpu.memory_space<hbm>>
    %dma_start3A_14 = tpu.memref_squeeze %dma_start3A_13 : memref<1x512x128xf32, #tpu.memory_space<hbm>> -> memref<512x128xf32, #tpu.memory_space<hbm>>
    tpu.enqueue_dma source(%dma_start3A_14 : memref<512x128xf32, #tpu.memory_space<hbm>>) target(%arg4 : memref<512x128xf32, #tpu.memory_space<vmem>>) target_semaphore(%dma_start3A_10 : memref<!tpu.dma_semaphore, #tpu.memory_space<semaphore_mem>>)
    %add3A_15 = arith.constant 0 : i32
    %add3A_16 = arith.addi %mul3A_2, %add3A_15 : i32
    %dma_wait3A = arith.constant 0 : i32
    %dma_wait3A_17 = arith.constant 0 : i32
    %dma_wait3A_18 = arith.constant 0 : i32
    %dma_wait3A_19 = tpu.memref_slice %arg2[%add3A_16, %dma_wait3A_17, %dma_wait3A_18] : memref<128x2048x128xf32, #tpu.memory_space<hbm>> -> memref<1x512x128xf32, #tpu.memory_space<hbm>>
    %dma_wait3A_20 = tpu.memref_squeeze %dma_wait3A_19 : memref<1x512x128xf32, #tpu.memory_space<hbm>> -> memref<512x128xf32, #tpu.memory_space<hbm>>
    %dma_wait3A_21 = tpu.memref_slice %arg6[%dma_wait3A] : memref<4x!tpu.dma_semaphore, #tpu.memory_space<semaphore_mem>> -> memref<1x!tpu.dma_semaphore, #tpu.memory_space<semaphore_mem>>
    %dma_wait3A_22 = tpu.memref_squeeze %dma_wait3A_21 : memref<1x!tpu.dma_semaphore, #tpu.memory_space<semaphore_mem>> -> memref<!tpu.dma_semaphore, #tpu.memory_space<semaphore_mem>>
    %dma_wait3A_23 = arith.constant 0 : i32
    %dma_wait3A_24 = arith.constant 0 : i32
    %dma_wait3A_25 = tpu.memref_slice %arg2[%add3A_16, %dma_wait3A_23, %dma_wait3A_24] : memref<128x2048x128xf32, #tpu.memory_space<hbm>> -> memref<1x512x128xf32, #tpu.memory_space<hbm>>
    %dma_wait3A_26 = tpu.memref_squeeze %dma_wait3A_25 : memref<1x512x128xf32, #tpu.memory_space<hbm>> -> memref<512x128xf32, #tpu.memory_space<hbm>>
    tpu.wait_dma2 semaphore(%dma_wait3A_22 : memref<!tpu.dma_semaphore, #tpu.memory_space<semaphore_mem>>) src(%dma_wait3A_26 : memref<512x128xf32, #tpu.memory_space<hbm>>) dst(%arg4 : memref<512x128xf32, #tpu.memory_space<vmem>>)
    %add3A_27 = arith.constant 0 : i32
    %add3A_28 = arith.addi %mul3A_2, %add3A_27 : i32
    %dma_start3A_29 = arith.constant 1 : i32
    %dma_start3A_30 = arith.constant 512 : i32
    %dma_start3A_31 = arith.constant 0 : i32
    %dma_start3A_32 = tpu.memref_slice %arg2[%add3A_28, %dma_start3A_30, %dma_start3A_31] : memref<128x2048x128xf32, #tpu.memory_space<hbm>> -> memref<1x512x128xf32, #tpu.memory_space<hbm>>
    %dma_start3A_33 = tpu.memref_squeeze %dma_start3A_32 : memref<1x512x128xf32, #tpu.memory_space<hbm>> -> memref<512x128xf32, #tpu.memory_space<hbm>>
    %dma_start3A_34 = tpu.memref_slice %arg6[%dma_start3A_29] : memref<4x!tpu.dma_semaphore, #tpu.memory_space<semaphore_mem>> -> memref<1x!tpu.dma_semaphore, #tpu.memory_space<semaphore_mem>>
    %dma_start3A_35 = tpu.memref_squeeze %dma_start3A_34 : memref<1x!tpu.dma_semaphore, #tpu.memory_space<semaphore_mem>> -> memref<!tpu.dma_semaphore, #tpu.memory_space<semaphore_mem>>
    %dma_start3A_36 = arith.constant 512 : i32
    %dma_start3A_37 = arith.constant 0 : i32
    %dma_start3A_38 = tpu.memref_slice %arg2[%add3A_28, %dma_start3A_36, %dma_start3A_37] : memref<128x2048x128xf32, #tpu.memory_space<hbm>> -> memref<1x512x128xf32, #tpu.memory_space<hbm>>
    %dma_start3A_39 = tpu.memref_squeeze %dma_start3A_38 : memref<1x512x128xf32, #tpu.memory_space<hbm>> -> memref<512x128xf32, #tpu.memory_space<hbm>>
    tpu.enqueue_dma source(%dma_start3A_39 : memref<512x128xf32, #tpu.memory_space<hbm>>) target(%arg5 : memref<512x128xf32, #tpu.memory_space<vmem>>) target_semaphore(%dma_start3A_35 : memref<!tpu.dma_semaphore, #tpu.memory_space<semaphore_mem>>)
    %add3A_40 = arith.constant 0 : i32
    %add3A_41 = arith.addi %mul3A_2, %add3A_40 : i32
    %dma_start3A_42 = arith.constant 2 : i32
    %dma_start3A_43 = arith.constant 0 : i32
    %dma_start3A_44 = arith.constant 0 : i32
    %dma_start3A_45 = tpu.memref_slice %arg3[%add3A_41, %dma_start3A_43, %dma_start3A_44] : memref<128x2048x128xf32, #tpu.memory_space<hbm>> -> memref<1x512x128xf32, #tpu.memory_space<hbm>>
    %dma_start3A_46 = tpu.memref_squeeze %dma_start3A_45 : memref<1x512x128xf32, #tpu.memory_space<hbm>> -> memref<512x128xf32, #tpu.memory_space<hbm>>
    %dma_start3A_47 = tpu.memref_slice %arg6[%dma_start3A_42] : memref<4x!tpu.dma_semaphore, #tpu.memory_space<semaphore_mem>> -> memref<1x!tpu.dma_semaphore, #tpu.memory_space<semaphore_mem>>
    %dma_start3A_48 = tpu.memref_squeeze %dma_start3A_47 : memref<1x!tpu.dma_semaphore, #tpu.memory_space<semaphore_mem>> -> memref<!tpu.dma_semaphore, #tpu.memory_space<semaphore_mem>>
    %dma_start3A_49 = arith.constant 0 : i32
    %dma_start3A_50 = arith.constant 0 : i32
    %dma_start3A_51 = tpu.memref_slice %arg3[%add3A_41, %dma_start3A_49, %dma_start3A_50] : memref<128x2048x128xf32, #tpu.memory_space<hbm>> -> memref<1x512x128xf32, #tpu.memory_space<hbm>>
    %dma_start3A_52 = tpu.memref_squeeze %dma_start3A_51 : memref<1x512x128xf32, #tpu.memory_space<hbm>> -> memref<512x128xf32, #tpu.memory_space<hbm>>
    tpu.enqueue_dma source(%arg4 : memref<512x128xf32, #tpu.memory_space<vmem>>) target(%dma_start3A_52 : memref<512x128xf32, #tpu.memory_space<hbm>>) target_semaphore(%dma_start3A_48 : memref<!tpu.dma_semaphore, #tpu.memory_space<semaphore_mem>>)
    %add3A_53 = arith.constant 0 : i32
    %add3A_54 = arith.addi %mul3A_2, %add3A_53 : i32
    %dma_wait3A_55 = arith.constant 1 : i32
    %dma_wait3A_56 = arith.constant 512 : i32
    %dma_wait3A_57 = arith.constant 0 : i32
    %dma_wait3A_58 = tpu.memref_slice %arg2[%add3A_54, %dma_wait3A_56, %dma_wait3A_57] : memref<128x2048x128xf32, #tpu.memory_space<hbm>> -> memref<1x512x128xf32, #tpu.memory_space<hbm>>
    %dma_wait3A_59 = tpu.memref_squeeze %dma_wait3A_58 : memref<1x512x128xf32, #tpu.memory_space<hbm>> -> memref<512x128xf32, #tpu.memory_space<hbm>>
    %dma_wait3A_60 = tpu.memref_slice %arg6[%dma_wait3A_55] : memref<4x!tpu.dma_semaphore, #tpu.memory_space<semaphore_mem>> -> memref<1x!tpu.dma_semaphore, #tpu.memory_space<semaphore_mem>>
    %dma_wait3A_61 = tpu.memref_squeeze %dma_wait3A_60 : memref<1x!tpu.dma_semaphore, #tpu.memory_space<semaphore_mem>> -> memref<!tpu.dma_semaphore, #tpu.memory_space<semaphore_mem>>
    %dma_wait3A_62 = arith.constant 512 : i32
    %dma_wait3A_63 = arith.constant 0 : i32
    %dma_wait3A_64 = tpu.memref_slice %arg2[%add3A_54, %dma_wait3A_62, %dma_wait3A_63] : memref<128x2048x128xf32, #tpu.memory_space<hbm>> -> memref<1x512x128xf32, #tpu.memory_space<hbm>>
    %dma_wait3A_65 = tpu.memref_squeeze %dma_wait3A_64 : memref<1x512x128xf32, #tpu.memory_space<hbm>> -> memref<512x128xf32, #tpu.memory_space<hbm>>
    tpu.wait_dma2 semaphore(%dma_wait3A_61 : memref<!tpu.dma_semaphore, #tpu.memory_space<semaphore_mem>>) src(%dma_wait3A_65 : memref<512x128xf32, #tpu.memory_space<hbm>>) dst(%arg5 : memref<512x128xf32, #tpu.memory_space<vmem>>)
    %add3A_66 = arith.constant 0 : i32
    %add3A_67 = arith.addi %mul3A_2, %add3A_66 : i32
    %dma_wait3A_68 = arith.constant 2 : i32
    %dma_wait3A_69 = arith.constant 0 : i32
    %dma_wait3A_70 = arith.constant 0 : i32
    %dma_wait3A_71 = tpu.memref_slice %arg3[%add3A_67, %dma_wait3A_69, %dma_wait3A_70] : memref<128x2048x128xf32, #tpu.memory_space<hbm>> -> memref<1x512x128xf32, #tpu.memory_space<hbm>>
    %dma_wait3A_72 = tpu.memref_squeeze %dma_wait3A_71 : memref<1x512x128xf32, #tpu.memory_space<hbm>> -> memref<512x128xf32, #tpu.memory_space<hbm>>
    %dma_wait3A_73 = tpu.memref_slice %arg6[%dma_wait3A_68] : memref<4x!tpu.dma_semaphore, #tpu.memory_space<semaphore_mem>> -> memref<1x!tpu.dma_semaphore, #tpu.memory_space<semaphore_mem>>
    %dma_wait3A_74 = tpu.memref_squeeze %dma_wait3A_73 : memref<1x!tpu.dma_semaphore, #tpu.memory_space<semaphore_mem>> -> memref<!tpu.dma_semaphore, #tpu.memory_space<semaphore_mem>>
    %dma_wait3A_75 = arith.constant 0 : i32
    %dma_wait3A_76 = arith.constant 0 : i32
    %dma_wait3A_77 = tpu.memref_slice %arg3[%add3A_67, %dma_wait3A_75, %dma_wait3A_76] : memref<128x2048x128xf32, #tpu.memory_space<hbm>> -> memref<1x512x128xf32, #tpu.memory_space<hbm>>
    %dma_wait3A_78 = tpu.memref_squeeze %dma_wait3A_77 : memref<1x512x128xf32, #tpu.memory_space<hbm>> -> memref<512x128xf32, #tpu.memory_space<hbm>>
    tpu.wait_dma2 semaphore(%dma_wait3A_74 : memref<!tpu.dma_semaphore, #tpu.memory_space<semaphore_mem>>) src(%arg4 : memref<512x128xf32, #tpu.memory_space<vmem>>) dst(%dma_wait3A_78 : memref<512x128xf32, #tpu.memory_space<hbm>>)
    %add3A_79 = arith.constant 0 : i32
    %add3A_80 = arith.addi %mul3A_2, %add3A_79 : i32
    %dma_start3A_81 = arith.constant 0 : i32
    %dma_start3A_82 = arith.constant 1024 : i32
    %dma_start3A_83 = arith.constant 0 : i32
    %dma_start3A_84 = tpu.memref_slice %arg2[%add3A_80, %dma_start3A_82, %dma_start3A_83] : memref<128x2048x128xf32, #tpu.memory_space<hbm>> -> memref<1x512x128xf32, #tpu.memory_space<hbm>>
    %dma_start3A_85 = tpu.memref_squeeze %dma_start3A_84 : memref<1x512x128xf32, #tpu.memory_space<hbm>> -> memref<512x128xf32, #tpu.memory_space<hbm>>
    %dma_start3A_86 = tpu.memref_slice %arg6[%dma_start3A_81] : memref<4x!tpu.dma_semaphore, #tpu.memory_space<semaphore_mem>> -> memref<1x!tpu.dma_semaphore, #tpu.memory_space<semaphore_mem>>
    %dma_start3A_87 = tpu.memref_squeeze %dma_start3A_86 : memref<1x!tpu.dma_semaphore, #tpu.memory_space<semaphore_mem>> -> memref<!tpu.dma_semaphore, #tpu.memory_space<semaphore_mem>>
    %dma_start3A_88 = arith.constant 1024 : i32
    %dma_start3A_89 = arith.constant 0 : i32
    %dma_start3A_90 = tpu.memref_slice %arg2[%add3A_80, %dma_start3A_88, %dma_start3A_89] : memref<128x2048x128xf32, #tpu.memory_space<hbm>> -> memref<1x512x128xf32, #tpu.memory_space<hbm>>
    %dma_start3A_91 = tpu.memref_squeeze %dma_start3A_90 : memref<1x512x128xf32, #tpu.memory_space<hbm>> -> memref<512x128xf32, #tpu.memory_space<hbm>>
    tpu.enqueue_dma source(%dma_start3A_91 : memref<512x128xf32, #tpu.memory_space<hbm>>) target(%arg4 : memref<512x128xf32, #tpu.memory_space<vmem>>) target_semaphore(%dma_start3A_87 : memref<!tpu.dma_semaphore, #tpu.memory_space<semaphore_mem>>)
    %add3A_92 = arith.constant 0 : i32
    %add3A_93 = arith.addi %mul3A_2, %add3A_92 : i32
    %dma_start3A_94 = arith.constant 3 : i32
    %dma_start3A_95 = arith.constant 512 : i32
    %dma_start3A_96 = arith.constant 0 : i32
    %dma_start3A_97 = tpu.memref_slice %arg3[%add3A_93, %dma_start3A_95, %dma_start3A_96] : memref<128x2048x128xf32, #tpu.memory_space<hbm>> -> memref<1x512x128xf32, #tpu.memory_space<hbm>>
    %dma_start3A_98 = tpu.memref_squeeze %dma_start3A_97 : memref<1x512x128xf32, #tpu.memory_space<hbm>> -> memref<512x128xf32, #tpu.memory_space<hbm>>
    %dma_start3A_99 = tpu.memref_slice %arg6[%dma_start3A_94] : memref<4x!tpu.dma_semaphore, #tpu.memory_space<semaphore_mem>> -> memref<1x!tpu.dma_semaphore, #tpu.memory_space<semaphore_mem>>
    %dma_start3A_100 = tpu.memref_squeeze %dma_start3A_99 : memref<1x!tpu.dma_semaphore, #tpu.memory_space<semaphore_mem>> -> memref<!tpu.dma_semaphore, #tpu.memory_space<semaphore_mem>>
    %dma_start3A_101 = arith.constant 512 : i32
    %dma_start3A_102 = arith.constant 0 : i32
    %dma_start3A_103 = tpu.memref_slice %arg3[%add3A_93, %dma_start3A_101, %dma_start3A_102] : memref<128x2048x128xf32, #tpu.memory_space<hbm>> -> memref<1x512x128xf32, #tpu.memory_space<hbm>>
    %dma_start3A_104 = tpu.memref_squeeze %dma_start3A_103 : memref<1x512x128xf32, #tpu.memory_space<hbm>> -> memref<512x128xf32, #tpu.memory_space<hbm>>
    tpu.enqueue_dma source(%arg5 : memref<512x128xf32, #tpu.memory_space<vmem>>) target(%dma_start3A_104 : memref<512x128xf32, #tpu.memory_space<hbm>>) target_semaphore(%dma_start3A_100 : memref<!tpu.dma_semaphore, #tpu.memory_space<semaphore_mem>>)
    %add3A_105 = arith.constant 0 : i32
    %add3A_106 = arith.addi %mul3A_2, %add3A_105 : i32
    %dma_wait3A_107 = arith.constant 0 : i32
    %dma_wait3A_108 = arith.constant 1024 : i32
    %dma_wait3A_109 = arith.constant 0 : i32
    %dma_wait3A_110 = tpu.memref_slice %arg2[%add3A_106, %dma_wait3A_108, %dma_wait3A_109] : memref<128x2048x128xf32, #tpu.memory_space<hbm>> -> memref<1x512x128xf32, #tpu.memory_space<hbm>>
    %dma_wait3A_111 = tpu.memref_squeeze %dma_wait3A_110 : memref<1x512x128xf32, #tpu.memory_space<hbm>> -> memref<512x128xf32, #tpu.memory_space<hbm>>
    %dma_wait3A_112 = tpu.memref_slice %arg6[%dma_wait3A_107] : memref<4x!tpu.dma_semaphore, #tpu.memory_space<semaphore_mem>> -> memref<1x!tpu.dma_semaphore, #tpu.memory_space<semaphore_mem>>
    %dma_wait3A_113 = tpu.memref_squeeze %dma_wait3A_112 : memref<1x!tpu.dma_semaphore, #tpu.memory_space<semaphore_mem>> -> memref<!tpu.dma_semaphore, #tpu.memory_space<semaphore_mem>>
    %dma_wait3A_114 = arith.constant 1024 : i32
    %dma_wait3A_115 = arith.constant 0 : i32
    %dma_wait3A_116 = tpu.memref_slice %arg2[%add3A_106, %dma_wait3A_114, %dma_wait3A_115] : memref<128x2048x128xf32, #tpu.memory_space<hbm>> -> memref<1x512x128xf32, #tpu.memory_space<hbm>>
    %dma_wait3A_117 = tpu.memref_squeeze %dma_wait3A_116 : memref<1x512x128xf32, #tpu.memory_space<hbm>> -> memref<512x128xf32, #tpu.memory_space<hbm>>
    tpu.wait_dma2 semaphore(%dma_wait3A_113 : memref<!tpu.dma_semaphore, #tpu.memory_space<semaphore_mem>>) src(%dma_wait3A_117 : memref<512x128xf32, #tpu.memory_space<hbm>>) dst(%arg4 : memref<512x128xf32, #tpu.memory_space<vmem>>)
    %add3A_118 = arith.constant 0 : i32
    %add3A_119 = arith.addi %mul3A_2, %add3A_118 : i32
    %dma_wait3A_120 = arith.constant 3 : i32
    %dma_wait3A_121 = arith.constant 512 : i32
    %dma_wait3A_122 = arith.constant 0 : i32
    %dma_wait3A_123 = tpu.memref_slice %arg3[%add3A_119, %dma_wait3A_121, %dma_wait3A_122] : memref<128x2048x128xf32, #tpu.memory_space<hbm>> -> memref<1x512x128xf32, #tpu.memory_space<hbm>>
    %dma_wait3A_124 = tpu.memref_squeeze %dma_wait3A_123 : memref<1x512x128xf32, #tpu.memory_space<hbm>> -> memref<512x128xf32, #tpu.memory_space<hbm>>
    %dma_wait3A_125 = tpu.memref_slice %arg6[%dma_wait3A_120] : memref<4x!tpu.dma_semaphore, #tpu.memory_space<semaphore_mem>> -> memref<1x!tpu.dma_semaphore, #tpu.memory_space<semaphore_mem>>
    %dma_wait3A_126 = tpu.memref_squeeze %dma_wait3A_125 : memref<1x!tpu.dma_semaphore, #tpu.memory_space<semaphore_mem>> -> memref<!tpu.dma_semaphore, #tpu.memory_space<semaphore_mem>>
    %dma_wait3A_127 = arith.constant 512 : i32
    %dma_wait3A_128 = arith.constant 0 : i32
    %dma_wait3A_129 = tpu.memref_slice %arg3[%add3A_119, %dma_wait3A_127, %dma_wait3A_128] : memref<128x2048x128xf32, #tpu.memory_space<hbm>> -> memref<1x512x128xf32, #tpu.memory_space<hbm>>
    %dma_wait3A_130 = tpu.memref_squeeze %dma_wait3A_129 : memref<1x512x128xf32, #tpu.memory_space<hbm>> -> memref<512x128xf32, #tpu.memory_space<hbm>>
    tpu.wait_dma2 semaphore(%dma_wait3A_126 : memref<!tpu.dma_semaphore, #tpu.memory_space<semaphore_mem>>) src(%arg5 : memref<512x128xf32, #tpu.memory_space<vmem>>) dst(%dma_wait3A_130 : memref<512x128xf32, #tpu.memory_space<hbm>>)
    %add3A_131 = arith.constant 0 : i32
    %add3A_132 = arith.addi %mul3A_2, %add3A_131 : i32
    %dma_start3A_133 = arith.constant 1 : i32
    %dma_start3A_134 = arith.constant 1536 : i32
    %dma_start3A_135 = arith.constant 0 : i32
    %dma_start3A_136 = tpu.memref_slice %arg2[%add3A_132, %dma_start3A_134, %dma_start3A_135] : memref<128x2048x128xf32, #tpu.memory_space<hbm>> -> memref<1x512x128xf32, #tpu.memory_space<hbm>>
    %dma_start3A_137 = tpu.memref_squeeze %dma_start3A_136 : memref<1x512x128xf32, #tpu.memory_space<hbm>> -> memref<512x128xf32, #tpu.memory_space<hbm>>
    %dma_start3A_138 = tpu.memref_slice %arg6[%dma_start3A_133] : memref<4x!tpu.dma_semaphore, #tpu.memory_space<semaphore_mem>> -> memref<1x!tpu.dma_semaphore, #tpu.memory_space<semaphore_mem>>
    %dma_start3A_139 = tpu.memref_squeeze %dma_start3A_138 : memref<1x!tpu.dma_semaphore, #tpu.memory_space<semaphore_mem>> -> memref<!tpu.dma_semaphore, #tpu.memory_space<semaphore_mem>>
    %dma_start3A_140 = arith.constant 1536 : i32
    %dma_start3A_141 = arith.constant 0 : i32
    %dma_start3A_142 = tpu.memref_slice %arg2[%add3A_132, %dma_start3A_140, %dma_start3A_141] : memref<128x2048x128xf32, #tpu.memory_space<hbm>> -> memref<1x512x128xf32, #tpu.memory_space<hbm>>
    %dma_start3A_143 = tpu.memref_squeeze %dma_start3A_142 : memref<1x512x128xf32, #tpu.memory_space<hbm>> -> memref<512x128xf32, #tpu.memory_space<hbm>>
    tpu.enqueue_dma source(%dma_start3A_143 : memref<512x128xf32, #tpu.memory_space<hbm>>) target(%arg5 : memref<512x128xf32, #tpu.memory_space<vmem>>) target_semaphore(%dma_start3A_139 : memref<!tpu.dma_semaphore, #tpu.memory_space<semaphore_mem>>)
    %add3A_144 = arith.constant 0 : i32
    %add3A_145 = arith.addi %mul3A_2, %add3A_144 : i32
    %dma_start3A_146 = arith.constant 2 : i32
    %dma_start3A_147 = arith.constant 1024 : i32
    %dma_start3A_148 = arith.constant 0 : i32
    %dma_start3A_149 = tpu.memref_slice %arg3[%add3A_145, %dma_start3A_147, %dma_start3A_148] : memref<128x2048x128xf32, #tpu.memory_space<hbm>> -> memref<1x512x128xf32, #tpu.memory_space<hbm>>
    %dma_start3A_150 = tpu.memref_squeeze %dma_start3A_149 : memref<1x512x128xf32, #tpu.memory_space<hbm>> -> memref<512x128xf32, #tpu.memory_space<hbm>>
    %dma_start3A_151 = tpu.memref_slice %arg6[%dma_start3A_146] : memref<4x!tpu.dma_semaphore, #tpu.memory_space<semaphore_mem>> -> memref<1x!tpu.dma_semaphore, #tpu.memory_space<semaphore_mem>>
    %dma_start3A_152 = tpu.memref_squeeze %dma_start3A_151 : memref<1x!tpu.dma_semaphore, #tpu.memory_space<semaphore_mem>> -> memref<!tpu.dma_semaphore, #tpu.memory_space<semaphore_mem>>
    %dma_start3A_153 = arith.constant 1024 : i32
    %dma_start3A_154 = arith.constant 0 : i32
    %dma_start3A_155 = tpu.memref_slice %arg3[%add3A_145, %dma_start3A_153, %dma_start3A_154] : memref<128x2048x128xf32, #tpu.memory_space<hbm>> -> memref<1x512x128xf32, #tpu.memory_space<hbm>>
    %dma_start3A_156 = tpu.memref_squeeze %dma_start3A_155 : memref<1x512x128xf32, #tpu.memory_space<hbm>> -> memref<512x128xf32, #tpu.memory_space<hbm>>
    tpu.enqueue_dma source(%arg4 : memref<512x128xf32, #tpu.memory_space<vmem>>) target(%dma_start3A_156 : memref<512x128xf32, #tpu.memory_space<hbm>>) target_semaphore(%dma_start3A_152 : memref<!tpu.dma_semaphore, #tpu.memory_space<semaphore_mem>>)
    %add3A_157 = arith.constant 0 : i32
    %add3A_158 = arith.addi %mul3A_2, %add3A_157 : i32
    %dma_wait3A_159 = arith.constant 1 : i32
    %dma_wait3A_160 = arith.constant 1536 : i32
    %dma_wait3A_161 = arith.constant 0 : i32
    %dma_wait3A_162 = tpu.memref_slice %arg2[%add3A_158, %dma_wait3A_160, %dma_wait3A_161] : memref<128x2048x128xf32, #tpu.memory_space<hbm>> -> memref<1x512x128xf32, #tpu.memory_space<hbm>>
    %dma_wait3A_163 = tpu.memref_squeeze %dma_wait3A_162 : memref<1x512x128xf32, #tpu.memory_space<hbm>> -> memref<512x128xf32, #tpu.memory_space<hbm>>
    %dma_wait3A_164 = tpu.memref_slice %arg6[%dma_wait3A_159] : memref<4x!tpu.dma_semaphore, #tpu.memory_space<semaphore_mem>> -> memref<1x!tpu.dma_semaphore, #tpu.memory_space<semaphore_mem>>
    %dma_wait3A_165 = tpu.memref_squeeze %dma_wait3A_164 : memref<1x!tpu.dma_semaphore, #tpu.memory_space<semaphore_mem>> -> memref<!tpu.dma_semaphore, #tpu.memory_space<semaphore_mem>>
    %dma_wait3A_166 = arith.constant 1536 : i32
    %dma_wait3A_167 = arith.constant 0 : i32
    %dma_wait3A_168 = tpu.memref_slice %arg2[%add3A_158, %dma_wait3A_166, %dma_wait3A_167] : memref<128x2048x128xf32, #tpu.memory_space<hbm>> -> memref<1x512x128xf32, #tpu.memory_space<hbm>>
    %dma_wait3A_169 = tpu.memref_squeeze %dma_wait3A_168 : memref<1x512x128xf32, #tpu.memory_space<hbm>> -> memref<512x128xf32, #tpu.memory_space<hbm>>
    tpu.wait_dma2 semaphore(%dma_wait3A_165 : memref<!tpu.dma_semaphore, #tpu.memory_space<semaphore_mem>>) src(%dma_wait3A_169 : memref<512x128xf32, #tpu.memory_space<hbm>>) dst(%arg5 : memref<512x128xf32, #tpu.memory_space<vmem>>)
    %add3A_170 = arith.constant 0 : i32
    %add3A_171 = arith.addi %mul3A_2, %add3A_170 : i32
    %dma_wait3A_172 = arith.constant 2 : i32
    %dma_wait3A_173 = arith.constant 1024 : i32
    %dma_wait3A_174 = arith.constant 0 : i32
    %dma_wait3A_175 = tpu.memref_slice %arg3[%add3A_171, %dma_wait3A_173, %dma_wait3A_174] : memref<128x2048x128xf32, #tpu.memory_space<hbm>> -> memref<1x512x128xf32, #tpu.memory_space<hbm>>
    %dma_wait3A_176 = tpu.memref_squeeze %dma_wait3A_175 : memref<1x512x128xf32, #tpu.memory_space<hbm>> -> memref<512x128xf32, #tpu.memory_space<hbm>>
    %dma_wait3A_177 = tpu.memref_slice %arg6[%dma_wait3A_172] : memref<4x!tpu.dma_semaphore, #tpu.memory_space<semaphore_mem>> -> memref<1x!tpu.dma_semaphore, #tpu.memory_space<semaphore_mem>>
    %dma_wait3A_178 = tpu.memref_squeeze %dma_wait3A_177 : memref<1x!tpu.dma_semaphore, #tpu.memory_space<semaphore_mem>> -> memref<!tpu.dma_semaphore, #tpu.memory_space<semaphore_mem>>
    %dma_wait3A_179 = arith.constant 1024 : i32
    %dma_wait3A_180 = arith.constant 0 : i32
    %dma_wait3A_181 = tpu.memref_slice %arg3[%add3A_171, %dma_wait3A_179, %dma_wait3A_180] : memref<128x2048x128xf32, #tpu.memory_space<hbm>> -> memref<1x512x128xf32, #tpu.memory_space<hbm>>
    %dma_wait3A_182 = tpu.memref_squeeze %dma_wait3A_181 : memref<1x512x128xf32, #tpu.memory_space<hbm>> -> memref<512x128xf32, #tpu.memory_space<hbm>>
    tpu.wait_dma2 semaphore(%dma_wait3A_178 : memref<!tpu.dma_semaphore, #tpu.memory_space<semaphore_mem>>) src(%arg4 : memref<512x128xf32, #tpu.memory_space<vmem>>) dst(%dma_wait3A_182 : memref<512x128xf32, #tpu.memory_space<hbm>>)
    %add3A_183 = arith.constant 1 : i32
    %add3A_184 = arith.addi %mul3A_2, %add3A_183 : i32
    %dma_start3A_185 = arith.constant 0 : i32
    %dma_start3A_186 = arith.constant 0 : i32
    %dma_start3A_187 = arith.constant 0 : i32
    %dma_start3A_188 = tpu.memref_slice %arg2[%add3A_184, %dma_start3A_186, %dma_start3A_187] : memref<128x2048x128xf32, #tpu.memory_space<hbm>> -> memref<1x512x128xf32, #tpu.memory_space<hbm>>
    %dma_start3A_189 = tpu.memref_squeeze %dma_start3A_188 : memref<1x512x128xf32, #tpu.memory_space<hbm>> -> memref<512x128xf32, #tpu.memory_space<hbm>>
    %dma_start3A_190 = tpu.memref_slice %arg6[%dma_start3A_185] : memref<4x!tpu.dma_semaphore, #tpu.memory_space<semaphore_mem>> -> memref<1x!tpu.dma_semaphore, #tpu.memory_space<semaphore_mem>>
    %dma_start3A_191 = tpu.memref_squeeze %dma_start3A_190 : memref<1x!tpu.dma_semaphore, #tpu.memory_space<semaphore_mem>> -> memref<!tpu.dma_semaphore, #tpu.memory_space<semaphore_mem>>
    %dma_start3A_192 = arith.constant 0 : i32
    %dma_start3A_193 = arith.constant 0 : i32
    %dma_start3A_194 = tpu.memref_slice %arg2[%add3A_184, %dma_start3A_192, %dma_start3A_193] : memref<128x2048x128xf32, #tpu.memory_space<hbm>> -> memref<1x512x128xf32, #tpu.memory_space<hbm>>
    %dma_start3A_195 = tpu.memref_squeeze %dma_start3A_194 : memref<1x512x128xf32, #tpu.memory_space<hbm>> -> memref<512x128xf32, #tpu.memory_space<hbm>>
    tpu.enqueue_dma source(%dma_start3A_195 : memref<512x128xf32, #tpu.memory_space<hbm>>) target(%arg4 : memref<512x128xf32, #tpu.memory_space<vmem>>) target_semaphore(%dma_start3A_191 : memref<!tpu.dma_semaphore, #tpu.memory_space<semaphore_mem>>)
    %add3A_196 = arith.constant 0 : i32
    %add3A_197 = arith.addi %mul3A_2, %add3A_196 : i32
    %dma_start3A_198 = arith.constant 3 : i32
    %dma_start3A_199 = arith.constant 1536 : i32
    %dma_start3A_200 = arith.constant 0 : i32
    %dma_start3A_201 = tpu.memref_slice %arg3[%add3A_197, %dma_start3A_199, %dma_start3A_200] : memref<128x2048x128xf32, #tpu.memory_space<hbm>> -> memref<1x512x128xf32, #tpu.memory_space<hbm>>
    %dma_start3A_202 = tpu.memref_squeeze %dma_start3A_201 : memref<1x512x128xf32, #tpu.memory_space<hbm>> -> memref<512x128xf32, #tpu.memory_space<hbm>>
    %dma_start3A_203 = tpu.memref_slice %arg6[%dma_start3A_198] : memref<4x!tpu.dma_semaphore, #tpu.memory_space<semaphore_mem>> -> memref<1x!tpu.dma_semaphore, #tpu.memory_space<semaphore_mem>>
    %dma_start3A_204 = tpu.memref_squeeze %dma_start3A_203 : memref<1x!tpu.dma_semaphore, #tpu.memory_space<semaphore_mem>> -> memref<!tpu.dma_semaphore, #tpu.memory_space<semaphore_mem>>
    %dma_start3A_205 = arith.constant 1536 : i32
    %dma_start3A_206 = arith.constant 0 : i32
    %dma_start3A_207 = tpu.memref_slice %arg3[%add3A_197, %dma_start3A_205, %dma_start3A_206] : memref<128x2048x128xf32, #tpu.memory_space<hbm>> -> memref<1x512x128xf32, #tpu.memory_space<hbm>>
    %dma_start3A_208 = tpu.memref_squeeze %dma_start3A_207 : memref<1x512x128xf32, #tpu.memory_space<hbm>> -> memref<512x128xf32, #tpu.memory_space<hbm>>
    tpu.enqueue_dma source(%arg5 : memref<512x128xf32, #tpu.memory_space<vmem>>) target(%dma_start3A_208 : memref<512x128xf32, #tpu.memory_space<hbm>>) target_semaphore(%dma_start3A_204 : memref<!tpu.dma_semaphore, #tpu.memory_space<semaphore_mem>>)
    %add3A_209 = arith.constant 1 : i32
    %add3A_210 = arith.addi %mul3A_2, %add3A_209 : i32
    %dma_wait3A_211 = arith.constant 0 : i32
    %dma_wait3A_212 = arith.constant 0 : i32
    %dma_wait3A_213 = arith.constant 0 : i32
    %dma_wait3A_214 = tpu.memref_slice %arg2[%add3A_210, %dma_wait3A_212, %dma_wait3A_213] : memref<128x2048x128xf32, #tpu.memory_space<hbm>> -> memref<1x512x128xf32, #tpu.memory_space<hbm>>
    %dma_wait3A_215 = tpu.memref_squeeze %dma_wait3A_214 : memref<1x512x128xf32, #tpu.memory_space<hbm>> -> memref<512x128xf32, #tpu.memory_space<hbm>>
    %dma_wait3A_216 = tpu.memref_slice %arg6[%dma_wait3A_211] : memref<4x!tpu.dma_semaphore, #tpu.memory_space<semaphore_mem>> -> memref<1x!tpu.dma_semaphore, #tpu.memory_space<semaphore_mem>>
    %dma_wait3A_217 = tpu.memref_squeeze %dma_wait3A_216 : memref<1x!tpu.dma_semaphore, #tpu.memory_space<semaphore_mem>> -> memref<!tpu.dma_semaphore, #tpu.memory_space<semaphore_mem>>
    %dma_wait3A_218 = arith.constant 0 : i32
    %dma_wait3A_219 = arith.constant 0 : i32
    %dma_wait3A_220 = tpu.memref_slice %arg2[%add3A_210, %dma_wait3A_218, %dma_wait3A_219] : memref<128x2048x128xf32, #tpu.memory_space<hbm>> -> memref<1x512x128xf32, #tpu.memory_space<hbm>>
    %dma_wait3A_221 = tpu.memref_squeeze %dma_wait3A_220 : memref<1x512x128xf32, #tpu.memory_space<hbm>> -> memref<512x128xf32, #tpu.memory_space<hbm>>
    tpu.wait_dma2 semaphore(%dma_wait3A_217 : memref<!tpu.dma_semaphore, #tpu.memory_space<semaphore_mem>>) src(%dma_wait3A_221 : memref<512x128xf32, #tpu.memory_space<hbm>>) dst(%arg4 : memref<512x128xf32, #tpu.memory_space<vmem>>)
    %add3A_222 = arith.constant 0 : i32
    %add3A_223 = arith.addi %mul3A_2, %add3A_222 : i32
    %dma_wait3A_224 = arith.constant 3 : i32
    %dma_wait3A_225 = arith.constant 1536 : i32
    %dma_wait3A_226 = arith.constant 0 : i32
    %dma_wait3A_227 = tpu.memref_slice %arg3[%add3A_223, %dma_wait3A_225, %dma_wait3A_226] : memref<128x2048x128xf32, #tpu.memory_space<hbm>> -> memref<1x512x128xf32, #tpu.memory_space<hbm>>
    %dma_wait3A_228 = tpu.memref_squeeze %dma_wait3A_227 : memref<1x512x128xf32, #tpu.memory_space<hbm>> -> memref<512x128xf32, #tpu.memory_space<hbm>>
    %dma_wait3A_229 = tpu.memref_slice %arg6[%dma_wait3A_224] : memref<4x!tpu.dma_semaphore, #tpu.memory_space<semaphore_mem>> -> memref<1x!tpu.dma_semaphore, #tpu.memory_space<semaphore_mem>>
    %dma_wait3A_230 = tpu.memref_squeeze %dma_wait3A_229 : memref<1x!tpu.dma_semaphore, #tpu.memory_space<semaphore_mem>> -> memref<!tpu.dma_semaphore, #tpu.memory_space<semaphore_mem>>
    %dma_wait3A_231 = arith.constant 1536 : i32
    %dma_wait3A_232 = arith.constant 0 : i32
    %dma_wait3A_233 = tpu.memref_slice %arg3[%add3A_223, %dma_wait3A_231, %dma_wait3A_232] : memref<128x2048x128xf32, #tpu.memory_space<hbm>> -> memref<1x512x128xf32, #tpu.memory_space<hbm>>
    %dma_wait3A_234 = tpu.memref_squeeze %dma_wait3A_233 : memref<1x512x128xf32, #tpu.memory_space<hbm>> -> memref<512x128xf32, #tpu.memory_space<hbm>>
    tpu.wait_dma2 semaphore(%dma_wait3A_230 : memref<!tpu.dma_semaphore, #tpu.memory_space<semaphore_mem>>) src(%arg5 : memref<512x128xf32, #tpu.memory_space<vmem>>) dst(%dma_wait3A_234 : memref<512x128xf32, #tpu.memory_space<hbm>>)
    %add3A_235 = arith.constant 1 : i32
    %add3A_236 = arith.addi %mul3A_2, %add3A_235 : i32
    %dma_start3A_237 = arith.constant 1 : i32
    %dma_start3A_238 = arith.constant 512 : i32
    %dma_start3A_239 = arith.constant 0 : i32
    %dma_start3A_240 = tpu.memref_slice %arg2[%add3A_236, %dma_start3A_238, %dma_start3A_239] : memref<128x2048x128xf32, #tpu.memory_space<hbm>> -> memref<1x512x128xf32, #tpu.memory_space<hbm>>
    %dma_start3A_241 = tpu.memref_squeeze %dma_start3A_240 : memref<1x512x128xf32, #tpu.memory_space<hbm>> -> memref<512x128xf32, #tpu.memory_space<hbm>>
    %dma_start3A_242 = tpu.memref_slice %arg6[%dma_start3A_237] : memref<4x!tpu.dma_semaphore, #tpu.memory_space<semaphore_mem>> -> memref<1x!tpu.dma_semaphore, #tpu.memory_space<semaphore_mem>>
    %dma_start3A_243 = tpu.memref_squeeze %dma_start3A_242 : memref<1x!tpu.dma_semaphore, #tpu.memory_space<semaphore_mem>> -> memref<!tpu.dma_semaphore, #tpu.memory_space<semaphore_mem>>
    %dma_start3A_244 = arith.constant 512 : i32
    %dma_start3A_245 = arith.constant 0 : i32
    %dma_start3A_246 = tpu.memref_slice %arg2[%add3A_236, %dma_start3A_244, %dma_start3A_245] : memref<128x2048x128xf32, #tpu.memory_space<hbm>> -> memref<1x512x128xf32, #tpu.memory_space<hbm>>
    %dma_start3A_247 = tpu.memref_squeeze %dma_start3A_246 : memref<1x512x128xf32, #tpu.memory_space<hbm>> -> memref<512x128xf32, #tpu.memory_space<hbm>>
    tpu.enqueue_dma source(%dma_start3A_247 : memref<512x128xf32, #tpu.memory_space<hbm>>) target(%arg5 : memref<512x128xf32, #tpu.memory_space<vmem>>) target_semaphore(%dma_start3A_243 : memref<!tpu.dma_semaphore, #tpu.memory_space<semaphore_mem>>)
    %add3A_248 = arith.constant 1 : i32
    %add3A_249 = arith.addi %mul3A_2, %add3A_248 : i32
    %dma_start3A_250 = arith.constant 2 : i32
    %dma_start3A_251 = arith.constant 0 : i32
    %dma_start3A_252 = arith.constant 0 : i32
    %dma_start3A_253 = tpu.memref_slice %arg3[%add3A_249, %dma_start3A_251, %dma_start3A_252] : memref<128x2048x128xf32, #tpu.memory_space<hbm>> -> memref<1x512x128xf32, #tpu.memory_space<hbm>>
    %dma_start3A_254 = tpu.memref_squeeze %dma_start3A_253 : memref<1x512x128xf32, #tpu.memory_space<hbm>> -> memref<512x128xf32, #tpu.memory_space<hbm>>
    %dma_start3A_255 = tpu.memref_slice %arg6[%dma_start3A_250] : memref<4x!tpu.dma_semaphore, #tpu.memory_space<semaphore_mem>> -> memref<1x!tpu.dma_semaphore, #tpu.memory_space<semaphore_mem>>
    %dma_start3A_256 = tpu.memref_squeeze %dma_start3A_255 : memref<1x!tpu.dma_semaphore, #tpu.memory_space<semaphore_mem>> -> memref<!tpu.dma_semaphore, #tpu.memory_space<semaphore_mem>>
    %dma_start3A_257 = arith.constant 0 : i32
    %dma_start3A_258 = arith.constant 0 : i32
    %dma_start3A_259 = tpu.memref_slice %arg3[%add3A_249, %dma_start3A_257, %dma_start3A_258] : memref<128x2048x128xf32, #tpu.memory_space<hbm>> -> memref<1x512x128xf32, #tpu.memory_space<hbm>>
    %dma_start3A_260 = tpu.memref_squeeze %dma_start3A_259 : memref<1x512x128xf32, #tpu.memory_space<hbm>> -> memref<512x128xf32, #tpu.memory_space<hbm>>
    tpu.enqueue_dma source(%arg4 : memref<512x128xf32, #tpu.memory_space<vmem>>) target(%dma_start3A_260 : memref<512x128xf32, #tpu.memory_space<hbm>>) target_semaphore(%dma_start3A_256 : memref<!tpu.dma_semaphore, #tpu.memory_space<semaphore_mem>>)
    %add3A_261 = arith.constant 1 : i32
    %add3A_262 = arith.addi %mul3A_2, %add3A_261 : i32
    %dma_wait3A_263 = arith.constant 1 : i32
    %dma_wait3A_264 = arith.constant 512 : i32
    %dma_wait3A_265 = arith.constant 0 : i32
    %dma_wait3A_266 = tpu.memref_slice %arg2[%add3A_262, %dma_wait3A_264, %dma_wait3A_265] : memref<128x2048x128xf32, #tpu.memory_space<hbm>> -> memref<1x512x128xf32, #tpu.memory_space<hbm>>
    %dma_wait3A_267 = tpu.memref_squeeze %dma_wait3A_266 : memref<1x512x128xf32, #tpu.memory_space<hbm>> -> memref<512x128xf32, #tpu.memory_space<hbm>>
    %dma_wait3A_268 = tpu.memref_slice %arg6[%dma_wait3A_263] : memref<4x!tpu.dma_semaphore, #tpu.memory_space<semaphore_mem>> -> memref<1x!tpu.dma_semaphore, #tpu.memory_space<semaphore_mem>>
    %dma_wait3A_269 = tpu.memref_squeeze %dma_wait3A_268 : memref<1x!tpu.dma_semaphore, #tpu.memory_space<semaphore_mem>> -> memref<!tpu.dma_semaphore, #tpu.memory_space<semaphore_mem>>
    %dma_wait3A_270 = arith.constant 512 : i32
    %dma_wait3A_271 = arith.constant 0 : i32
    %dma_wait3A_272 = tpu.memref_slice %arg2[%add3A_262, %dma_wait3A_270, %dma_wait3A_271] : memref<128x2048x128xf32, #tpu.memory_space<hbm>> -> memref<1x512x128xf32, #tpu.memory_space<hbm>>
    %dma_wait3A_273 = tpu.memref_squeeze %dma_wait3A_272 : memref<1x512x128xf32, #tpu.memory_space<hbm>> -> memref<512x128xf32, #tpu.memory_space<hbm>>
    tpu.wait_dma2 semaphore(%dma_wait3A_269 : memref<!tpu.dma_semaphore, #tpu.memory_space<semaphore_mem>>) src(%dma_wait3A_273 : memref<512x128xf32, #tpu.memory_space<hbm>>) dst(%arg5 : memref<512x128xf32, #tpu.memory_space<vmem>>)
    %add3A_274 = arith.constant 1 : i32
    %add3A_275 = arith.addi %mul3A_2, %add3A_274 : i32
    %dma_wait3A_276 = arith.constant 2 : i32
    %dma_wait3A_277 = arith.constant 0 : i32
    %dma_wait3A_278 = arith.constant 0 : i32
    %dma_wait3A_279 = tpu.memref_slice %arg3[%add3A_275, %dma_wait3A_277, %dma_wait3A_278] : memref<128x2048x128xf32, #tpu.memory_space<hbm>> -> memref<1x512x128xf32, #tpu.memory_space<hbm>>
    %dma_wait3A_280 = tpu.memref_squeeze %dma_wait3A_279 : memref<1x512x128xf32, #tpu.memory_space<hbm>> -> memref<512x128xf32, #tpu.memory_space<hbm>>
    %dma_wait3A_281 = tpu.memref_slice %arg6[%dma_wait3A_276] : memref<4x!tpu.dma_semaphore, #tpu.memory_space<semaphore_mem>> -> memref<1x!tpu.dma_semaphore, #tpu.memory_space<semaphore_mem>>
    %dma_wait3A_282 = tpu.memref_squeeze %dma_wait3A_281 : memref<1x!tpu.dma_semaphore, #tpu.memory_space<semaphore_mem>> -> memref<!tpu.dma_semaphore, #tpu.memory_space<semaphore_mem>>
    %dma_wait3A_283 = arith.constant 0 : i32
    %dma_wait3A_284 = arith.constant 0 : i32
    %dma_wait3A_285 = tpu.memref_slice %arg3[%add3A_275, %dma_wait3A_283, %dma_wait3A_284] : memref<128x2048x128xf32, #tpu.memory_space<hbm>> -> memref<1x512x128xf32, #tpu.memory_space<hbm>>
    %dma_wait3A_286 = tpu.memref_squeeze %dma_wait3A_285 : memref<1x512x128xf32, #tpu.memory_space<hbm>> -> memref<512x128xf32, #tpu.memory_space<hbm>>
    tpu.wait_dma2 semaphore(%dma_wait3A_282 : memref<!tpu.dma_semaphore, #tpu.memory_space<semaphore_mem>>) src(%arg4 : memref<512x128xf32, #tpu.memory_space<vmem>>) dst(%dma_wait3A_286 : memref<512x128xf32, #tpu.memory_space<hbm>>)
    %add3A_287 = arith.constant 1 : i32
    %add3A_288 = arith.addi %mul3A_2, %add3A_287 : i32
    %dma_start3A_289 = arith.constant 0 : i32
    %dma_start3A_290 = arith.constant 1024 : i32
    %dma_start3A_291 = arith.constant 0 : i32
    %dma_start3A_292 = tpu.memref_slice %arg2[%add3A_288, %dma_start3A_290, %dma_start3A_291] : memref<128x2048x128xf32, #tpu.memory_space<hbm>> -> memref<1x512x128xf32, #tpu.memory_space<hbm>>
    %dma_start3A_293 = tpu.memref_squeeze %dma_start3A_292 : memref<1x512x128xf32, #tpu.memory_space<hbm>> -> memref<512x128xf32, #tpu.memory_space<hbm>>
    %dma_start3A_294 = tpu.memref_slice %arg6[%dma_start3A_289] : memref<4x!tpu.dma_semaphore, #tpu.memory_space<semaphore_mem>> -> memref<1x!tpu.dma_semaphore, #tpu.memory_space<semaphore_mem>>
    %dma_start3A_295 = tpu.memref_squeeze %dma_start3A_294 : memref<1x!tpu.dma_semaphore, #tpu.memory_space<semaphore_mem>> -> memref<!tpu.dma_semaphore, #tpu.memory_space<semaphore_mem>>
    %dma_start3A_296 = arith.constant 1024 : i32
    %dma_start3A_297 = arith.constant 0 : i32
    %dma_start3A_298 = tpu.memref_slice %arg2[%add3A_288, %dma_start3A_296, %dma_start3A_297] : memref<128x2048x128xf32, #tpu.memory_space<hbm>> -> memref<1x512x128xf32, #tpu.memory_space<hbm>>
    %dma_start3A_299 = tpu.memref_squeeze %dma_start3A_298 : memref<1x512x128xf32, #tpu.memory_space<hbm>> -> memref<512x128xf32, #tpu.memory_space<hbm>>
    tpu.enqueue_dma source(%dma_start3A_299 : memref<512x128xf32, #tpu.memory_space<hbm>>) target(%arg4 : memref<512x128xf32, #tpu.memory_space<vmem>>) target_semaphore(%dma_start3A_295 : memref<!tpu.dma_semaphore, #tpu.memory_space<semaphore_mem>>)
    %add3A_300 = arith.constant 1 : i32
    %add3A_301 = arith.addi %mul3A_2, %add3A_300 : i32
    %dma_start3A_302 = arith.constant 3 : i32
    %dma_start3A_303 = arith.constant 512 : i32
    %dma_start3A_304 = arith.constant 0 : i32
    %dma_start3A_305 = tpu.memref_slice %arg3[%add3A_301, %dma_start3A_303, %dma_start3A_304] : memref<128x2048x128xf32, #tpu.memory_space<hbm>> -> memref<1x512x128xf32, #tpu.memory_space<hbm>>
    %dma_start3A_306 = tpu.memref_squeeze %dma_start3A_305 : memref<1x512x128xf32, #tpu.memory_space<hbm>> -> memref<512x128xf32, #tpu.memory_space<hbm>>
    %dma_start3A_307 = tpu.memref_slice %arg6[%dma_start3A_302] : memref<4x!tpu.dma_semaphore, #tpu.memory_space<semaphore_mem>> -> memref<1x!tpu.dma_semaphore, #tpu.memory_space<semaphore_mem>>
    %dma_start3A_308 = tpu.memref_squeeze %dma_start3A_307 : memref<1x!tpu.dma_semaphore, #tpu.memory_space<semaphore_mem>> -> memref<!tpu.dma_semaphore, #tpu.memory_space<semaphore_mem>>
    %dma_start3A_309 = arith.constant 512 : i32
    %dma_start3A_310 = arith.constant 0 : i32
    %dma_start3A_311 = tpu.memref_slice %arg3[%add3A_301, %dma_start3A_309, %dma_start3A_310] : memref<128x2048x128xf32, #tpu.memory_space<hbm>> -> memref<1x512x128xf32, #tpu.memory_space<hbm>>
    %dma_start3A_312 = tpu.memref_squeeze %dma_start3A_311 : memref<1x512x128xf32, #tpu.memory_space<hbm>> -> memref<512x128xf32, #tpu.memory_space<hbm>>
    tpu.enqueue_dma source(%arg5 : memref<512x128xf32, #tpu.memory_space<vmem>>) target(%dma_start3A_312 : memref<512x128xf32, #tpu.memory_space<hbm>>) target_semaphore(%dma_start3A_308 : memref<!tpu.dma_semaphore, #tpu.memory_space<semaphore_mem>>)
    %add3A_313 = arith.constant 1 : i32
    %add3A_314 = arith.addi %mul3A_2, %add3A_313 : i32
    %dma_wait3A_315 = arith.constant 0 : i32
    %dma_wait3A_316 = arith.constant 1024 : i32
    %dma_wait3A_317 = arith.constant 0 : i32
    %dma_wait3A_318 = tpu.memref_slice %arg2[%add3A_314, %dma_wait3A_316, %dma_wait3A_317] : memref<128x2048x128xf32, #tpu.memory_space<hbm>> -> memref<1x512x128xf32, #tpu.memory_space<hbm>>
    %dma_wait3A_319 = tpu.memref_squeeze %dma_wait3A_318 : memref<1x512x128xf32, #tpu.memory_space<hbm>> -> memref<512x128xf32, #tpu.memory_space<hbm>>
    %dma_wait3A_320 = tpu.memref_slice %arg6[%dma_wait3A_315] : memref<4x!tpu.dma_semaphore, #tpu.memory_space<semaphore_mem>> -> memref<1x!tpu.dma_semaphore, #tpu.memory_space<semaphore_mem>>
    %dma_wait3A_321 = tpu.memref_squeeze %dma_wait3A_320 : memref<1x!tpu.dma_semaphore, #tpu.memory_space<semaphore_mem>> -> memref<!tpu.dma_semaphore, #tpu.memory_space<semaphore_mem>>
    %dma_wait3A_322 = arith.constant 1024 : i32
    %dma_wait3A_323 = arith.constant 0 : i32
    %dma_wait3A_324 = tpu.memref_slice %arg2[%add3A_314, %dma_wait3A_322, %dma_wait3A_323] : memref<128x2048x128xf32, #tpu.memory_space<hbm>> -> memref<1x512x128xf32, #tpu.memory_space<hbm>>
    %dma_wait3A_325 = tpu.memref_squeeze %dma_wait3A_324 : memref<1x512x128xf32, #tpu.memory_space<hbm>> -> memref<512x128xf32, #tpu.memory_space<hbm>>
    tpu.wait_dma2 semaphore(%dma_wait3A_321 : memref<!tpu.dma_semaphore, #tpu.memory_space<semaphore_mem>>) src(%dma_wait3A_325 : memref<512x128xf32, #tpu.memory_space<hbm>>) dst(%arg4 : memref<512x128xf32, #tpu.memory_space<vmem>>)
    %add3A_326 = arith.constant 1 : i32
    %add3A_327 = arith.addi %mul3A_2, %add3A_326 : i32
    %dma_wait3A_328 = arith.constant 3 : i32
    %dma_wait3A_329 = arith.constant 512 : i32
    %dma_wait3A_330 = arith.constant 0 : i32
    %dma_wait3A_331 = tpu.memref_slice %arg3[%add3A_327, %dma_wait3A_329, %dma_wait3A_330] : memref<128x2048x128xf32, #tpu.memory_space<hbm>> -> memref<1x512x128xf32, #tpu.memory_space<hbm>>
    %dma_wait3A_332 = tpu.memref_squeeze %dma_wait3A_331 : memref<1x512x128xf32, #tpu.memory_space<hbm>> -> memref<512x128xf32, #tpu.memory_space<hbm>>
    %dma_wait3A_333 = tpu.memref_slice %arg6[%dma_wait3A_328] : memref<4x!tpu.dma_semaphore, #tpu.memory_space<semaphore_mem>> -> memref<1x!tpu.dma_semaphore, #tpu.memory_space<semaphore_mem>>
    %dma_wait3A_334 = tpu.memref_squeeze %dma_wait3A_333 : memref<1x!tpu.dma_semaphore, #tpu.memory_space<semaphore_mem>> -> memref<!tpu.dma_semaphore, #tpu.memory_space<semaphore_mem>>
    %dma_wait3A_335 = arith.constant 512 : i32
    %dma_wait3A_336 = arith.constant 0 : i32
    %dma_wait3A_337 = tpu.memref_slice %arg3[%add3A_327, %dma_wait3A_335, %dma_wait3A_336] : memref<128x2048x128xf32, #tpu.memory_space<hbm>> -> memref<1x512x128xf32, #tpu.memory_space<hbm>>
    %dma_wait3A_338 = tpu.memref_squeeze %dma_wait3A_337 : memref<1x512x128xf32, #tpu.memory_space<hbm>> -> memref<512x128xf32, #tpu.memory_space<hbm>>
    tpu.wait_dma2 semaphore(%dma_wait3A_334 : memref<!tpu.dma_semaphore, #tpu.memory_space<semaphore_mem>>) src(%arg5 : memref<512x128xf32, #tpu.memory_space<vmem>>) dst(%dma_wait3A_338 : memref<512x128xf32, #tpu.memory_space<hbm>>)
    %add3A_339 = arith.constant 1 : i32
    %add3A_340 = arith.addi %mul3A_2, %add3A_339 : i32
    %dma_start3A_341 = arith.constant 1 : i32
    %dma_start3A_342 = arith.constant 1536 : i32
    %dma_start3A_343 = arith.constant 0 : i32
    %dma_start3A_344 = tpu.memref_slice %arg2[%add3A_340, %dma_start3A_342, %dma_start3A_343] : memref<128x2048x128xf32, #tpu.memory_space<hbm>> -> memref<1x512x128xf32, #tpu.memory_space<hbm>>
    %dma_start3A_345 = tpu.memref_squeeze %dma_start3A_344 : memref<1x512x128xf32, #tpu.memory_space<hbm>> -> memref<512x128xf32, #tpu.memory_space<hbm>>
    %dma_start3A_346 = tpu.memref_slice %arg6[%dma_start3A_341] : memref<4x!tpu.dma_semaphore, #tpu.memory_space<semaphore_mem>> -> memref<1x!tpu.dma_semaphore, #tpu.memory_space<semaphore_mem>>
    %dma_start3A_347 = tpu.memref_squeeze %dma_start3A_346 : memref<1x!tpu.dma_semaphore, #tpu.memory_space<semaphore_mem>> -> memref<!tpu.dma_semaphore, #tpu.memory_space<semaphore_mem>>
    %dma_start3A_348 = arith.constant 1536 : i32
    %dma_start3A_349 = arith.constant 0 : i32
    %dma_start3A_350 = tpu.memref_slice %arg2[%add3A_340, %dma_start3A_348, %dma_start3A_349] : memref<128x2048x128xf32, #tpu.memory_space<hbm>> -> memref<1x512x128xf32, #tpu.memory_space<hbm>>
    %dma_start3A_351 = tpu.memref_squeeze %dma_start3A_350 : memref<1x512x128xf32, #tpu.memory_space<hbm>> -> memref<512x128xf32, #tpu.memory_space<hbm>>
    tpu.enqueue_dma source(%dma_start3A_351 : memref<512x128xf32, #tpu.memory_space<hbm>>) target(%arg5 : memref<512x128xf32, #tpu.memory_space<vmem>>) target_semaphore(%dma_start3A_347 : memref<!tpu.dma_semaphore, #tpu.memory_space<semaphore_mem>>)
    %add3A_352 = arith.constant 1 : i32
    %add3A_353 = arith.addi %mul3A_2, %add3A_352 : i32
    %dma_start3A_354 = arith.constant 2 : i32
    %dma_start3A_355 = arith.constant 1024 : i32
    %dma_start3A_356 = arith.constant 0 : i32
    %dma_start3A_357 = tpu.memref_slice %arg3[%add3A_353, %dma_start3A_355, %dma_start3A_356] : memref<128x2048x128xf32, #tpu.memory_space<hbm>> -> memref<1x512x128xf32, #tpu.memory_space<hbm>>
    %dma_start3A_358 = tpu.memref_squeeze %dma_start3A_357 : memref<1x512x128xf32, #tpu.memory_space<hbm>> -> memref<512x128xf32, #tpu.memory_space<hbm>>
    %dma_start3A_359 = tpu.memref_slice %arg6[%dma_start3A_354] : memref<4x!tpu.dma_semaphore, #tpu.memory_space<semaphore_mem>> -> memref<1x!tpu.dma_semaphore, #tpu.memory_space<semaphore_mem>>
    %dma_start3A_360 = tpu.memref_squeeze %dma_start3A_359 : memref<1x!tpu.dma_semaphore, #tpu.memory_space<semaphore_mem>> -> memref<!tpu.dma_semaphore, #tpu.memory_space<semaphore_mem>>
    %dma_start3A_361 = arith.constant 1024 : i32
    %dma_start3A_362 = arith.constant 0 : i32
    %dma_start3A_363 = tpu.memref_slice %arg3[%add3A_353, %dma_start3A_361, %dma_start3A_362] : memref<128x2048x128xf32, #tpu.memory_space<hbm>> -> memref<1x512x128xf32, #tpu.memory_space<hbm>>
    %dma_start3A_364 = tpu.memref_squeeze %dma_start3A_363 : memref<1x512x128xf32, #tpu.memory_space<hbm>> -> memref<512x128xf32, #tpu.memory_space<hbm>>
    tpu.enqueue_dma source(%arg4 : memref<512x128xf32, #tpu.memory_space<vmem>>) target(%dma_start3A_364 : memref<512x128xf32, #tpu.memory_space<hbm>>) target_semaphore(%dma_start3A_360 : memref<!tpu.dma_semaphore, #tpu.memory_space<semaphore_mem>>)
    %add3A_365 = arith.constant 1 : i32
    %add3A_366 = arith.addi %mul3A_2, %add3A_365 : i32
    %dma_wait3A_367 = arith.constant 1 : i32
    %dma_wait3A_368 = arith.constant 1536 : i32
    %dma_wait3A_369 = arith.constant 0 : i32
    %dma_wait3A_370 = tpu.memref_slice %arg2[%add3A_366, %dma_wait3A_368, %dma_wait3A_369] : memref<128x2048x128xf32, #tpu.memory_space<hbm>> -> memref<1x512x128xf32, #tpu.memory_space<hbm>>
    %dma_wait3A_371 = tpu.memref_squeeze %dma_wait3A_370 : memref<1x512x128xf32, #tpu.memory_space<hbm>> -> memref<512x128xf32, #tpu.memory_space<hbm>>
    %dma_wait3A_372 = tpu.memref_slice %arg6[%dma_wait3A_367] : memref<4x!tpu.dma_semaphore, #tpu.memory_space<semaphore_mem>> -> memref<1x!tpu.dma_semaphore, #tpu.memory_space<semaphore_mem>>
    %dma_wait3A_373 = tpu.memref_squeeze %dma_wait3A_372 : memref<1x!tpu.dma_semaphore, #tpu.memory_space<semaphore_mem>> -> memref<!tpu.dma_semaphore, #tpu.memory_space<semaphore_mem>>
    %dma_wait3A_374 = arith.constant 1536 : i32
    %dma_wait3A_375 = arith.constant 0 : i32
    %dma_wait3A_376 = tpu.memref_slice %arg2[%add3A_366, %dma_wait3A_374, %dma_wait3A_375] : memref<128x2048x128xf32, #tpu.memory_space<hbm>> -> memref<1x512x128xf32, #tpu.memory_space<hbm>>
    %dma_wait3A_377 = tpu.memref_squeeze %dma_wait3A_376 : memref<1x512x128xf32, #tpu.memory_space<hbm>> -> memref<512x128xf32, #tpu.memory_space<hbm>>
    tpu.wait_dma2 semaphore(%dma_wait3A_373 : memref<!tpu.dma_semaphore, #tpu.memory_space<semaphore_mem>>) src(%dma_wait3A_377 : memref<512x128xf32, #tpu.memory_space<hbm>>) dst(%arg5 : memref<512x128xf32, #tpu.memory_space<vmem>>)
    %add3A_378 = arith.constant 1 : i32
    %add3A_379 = arith.addi %mul3A_2, %add3A_378 : i32
    %dma_wait3A_380 = arith.constant 2 : i32
    %dma_wait3A_381 = arith.constant 1024 : i32
    %dma_wait3A_382 = arith.constant 0 : i32
    %dma_wait3A_383 = tpu.memref_slice %arg3[%add3A_379, %dma_wait3A_381, %dma_wait3A_382] : memref<128x2048x128xf32, #tpu.memory_space<hbm>> -> memref<1x512x128xf32, #tpu.memory_space<hbm>>
    %dma_wait3A_384 = tpu.memref_squeeze %dma_wait3A_383 : memref<1x512x128xf32, #tpu.memory_space<hbm>> -> memref<512x128xf32, #tpu.memory_space<hbm>>
    %dma_wait3A_385 = tpu.memref_slice %arg6[%dma_wait3A_380] : memref<4x!tpu.dma_semaphore, #tpu.memory_space<semaphore_mem>> -> memref<1x!tpu.dma_semaphore, #tpu.memory_space<semaphore_mem>>
    %dma_wait3A_386 = tpu.memref_squeeze %dma_wait3A_385 : memref<1x!tpu.dma_semaphore, #tpu.memory_space<semaphore_mem>> -> memref<!tpu.dma_semaphore, #tpu.memory_space<semaphore_mem>>
    %dma_wait3A_387 = arith.constant 1024 : i32
    %dma_wait3A_388 = arith.constant 0 : i32
    %dma_wait3A_389 = tpu.memref_slice %arg3[%add3A_379, %dma_wait3A_387, %dma_wait3A_388] : memref<128x2048x128xf32, #tpu.memory_space<hbm>> -> memref<1x512x128xf32, #tpu.memory_space<hbm>>
    %dma_wait3A_390 = tpu.memref_squeeze %dma_wait3A_389 : memref<1x512x128xf32, #tpu.memory_space<hbm>> -> memref<512x128xf32, #tpu.memory_space<hbm>>
    tpu.wait_dma2 semaphore(%dma_wait3A_386 : memref<!tpu.dma_semaphore, #tpu.memory_space<semaphore_mem>>) src(%arg4 : memref<512x128xf32, #tpu.memory_space<vmem>>) dst(%dma_wait3A_390 : memref<512x128xf32, #tpu.memory_space<hbm>>)
    %add3A_391 = arith.constant 2 : i32
    %add3A_392 = arith.addi %mul3A_2, %add3A_391 : i32
    %dma_start3A_393 = arith.constant 0 : i32
    %dma_start3A_394 = arith.constant 0 : i32
    %dma_start3A_395 = arith.constant 0 : i32
    %dma_start3A_396 = tpu.memref_slice %arg2[%add3A_392, %dma_start3A_394, %dma_start3A_395] : memref<128x2048x128xf32, #tpu.memory_space<hbm>> -> memref<1x512x128xf32, #tpu.memory_space<hbm>>
    %dma_start3A_397 = tpu.memref_squeeze %dma_start3A_396 : memref<1x512x128xf32, #tpu.memory_space<hbm>> -> memref<512x128xf32, #tpu.memory_space<hbm>>
    %dma_start3A_398 = tpu.memref_slice %arg6[%dma_start3A_393] : memref<4x!tpu.dma_semaphore, #tpu.memory_space<semaphore_mem>> -> memref<1x!tpu.dma_semaphore, #tpu.memory_space<semaphore_mem>>
    %dma_start3A_399 = tpu.memref_squeeze %dma_start3A_398 : memref<1x!tpu.dma_semaphore, #tpu.memory_space<semaphore_mem>> -> memref<!tpu.dma_semaphore, #tpu.memory_space<semaphore_mem>>
    %dma_start3A_400 = arith.constant 0 : i32
    %dma_start3A_401 = arith.constant 0 : i32
    %dma_start3A_402 = tpu.memref_slice %arg2[%add3A_392, %dma_start3A_400, %dma_start3A_401] : memref<128x2048x128xf32, #tpu.memory_space<hbm>> -> memref<1x512x128xf32, #tpu.memory_space<hbm>>
    %dma_start3A_403 = tpu.memref_squeeze %dma_start3A_402 : memref<1x512x128xf32, #tpu.memory_space<hbm>> -> memref<512x128xf32, #tpu.memory_space<hbm>>
    tpu.enqueue_dma source(%dma_start3A_403 : memref<512x128xf32, #tpu.memory_space<hbm>>) target(%arg4 : memref<512x128xf32, #tpu.memory_space<vmem>>) target_semaphore(%dma_start3A_399 : memref<!tpu.dma_semaphore, #tpu.memory_space<semaphore_mem>>)
    %add3A_404 = arith.constant 1 : i32
    %add3A_405 = arith.addi %mul3A_2, %add3A_404 : i32
    %dma_start3A_406 = arith.constant 3 : i32
    %dma_start3A_407 = arith.constant 1536 : i32
    %dma_start3A_408 = arith.constant 0 : i32
    %dma_start3A_409 = tpu.memref_slice %arg3[%add3A_405, %dma_start3A_407, %dma_start3A_408] : memref<128x2048x128xf32, #tpu.memory_space<hbm>> -> memref<1x512x128xf32, #tpu.memory_space<hbm>>
    %dma_start3A_410 = tpu.memref_squeeze %dma_start3A_409 : memref<1x512x128xf32, #tpu.memory_space<hbm>> -> memref<512x128xf32, #tpu.memory_space<hbm>>
    %dma_start3A_411 = tpu.memref_slice %arg6[%dma_start3A_406] : memref<4x!tpu.dma_semaphore, #tpu.memory_space<semaphore_mem>> -> memref<1x!tpu.dma_semaphore, #tpu.memory_space<semaphore_mem>>
    %dma_start3A_412 = tpu.memref_squeeze %dma_start3A_411 : memref<1x!tpu.dma_semaphore, #tpu.memory_space<semaphore_mem>> -> memref<!tpu.dma_semaphore, #tpu.memory_space<semaphore_mem>>
    %dma_start3A_413 = arith.constant 1536 : i32
    %dma_start3A_414 = arith.constant 0 : i32
    %dma_start3A_415 = tpu.memref_slice %arg3[%add3A_405, %dma_start3A_413, %dma_start3A_414] : memref<128x2048x128xf32, #tpu.memory_space<hbm>> -> memref<1x512x128xf32, #tpu.memory_space<hbm>>
    %dma_start3A_416 = tpu.memref_squeeze %dma_start3A_415 : memref<1x512x128xf32, #tpu.memory_space<hbm>> -> memref<512x128xf32, #tpu.memory_space<hbm>>
    tpu.enqueue_dma source(%arg5 : memref<512x128xf32, #tpu.memory_space<vmem>>) target(%dma_start3A_416 : memref<512x128xf32, #tpu.memory_space<hbm>>) target_semaphore(%dma_start3A_412 : memref<!tpu.dma_semaphore, #tpu.memory_space<semaphore_mem>>)
    %add3A_417 = arith.constant 2 : i32
    %add3A_418 = arith.addi %mul3A_2, %add3A_417 : i32
    %dma_wait3A_419 = arith.constant 0 : i32
    %dma_wait3A_420 = arith.constant 0 : i32
    %dma_wait3A_421 = arith.constant 0 : i32
    %dma_wait3A_422 = tpu.memref_slice %arg2[%add3A_418, %dma_wait3A_420, %dma_wait3A_421] : memref<128x2048x128xf32, #tpu.memory_space<hbm>> -> memref<1x512x128xf32, #tpu.memory_space<hbm>>
    %dma_wait3A_423 = tpu.memref_squeeze %dma_wait3A_422 : memref<1x512x128xf32, #tpu.memory_space<hbm>> -> memref<512x128xf32, #tpu.memory_space<hbm>>
    %dma_wait3A_424 = tpu.memref_slice %arg6[%dma_wait3A_419] : memref<4x!tpu.dma_semaphore, #tpu.memory_space<semaphore_mem>> -> memref<1x!tpu.dma_semaphore, #tpu.memory_space<semaphore_mem>>
    %dma_wait3A_425 = tpu.memref_squeeze %dma_wait3A_424 : memref<1x!tpu.dma_semaphore, #tpu.memory_space<semaphore_mem>> -> memref<!tpu.dma_semaphore, #tpu.memory_space<semaphore_mem>>
    %dma_wait3A_426 = arith.constant 0 : i32
    %dma_wait3A_427 = arith.constant 0 : i32
    %dma_wait3A_428 = tpu.memref_slice %arg2[%add3A_418, %dma_wait3A_426, %dma_wait3A_427] : memref<128x2048x128xf32, #tpu.memory_space<hbm>> -> memref<1x512x128xf32, #tpu.memory_space<hbm>>
    %dma_wait3A_429 = tpu.memref_squeeze %dma_wait3A_428 : memref<1x512x128xf32, #tpu.memory_space<hbm>> -> memref<512x128xf32, #tpu.memory_space<hbm>>
    tpu.wait_dma2 semaphore(%dma_wait3A_425 : memref<!tpu.dma_semaphore, #tpu.memory_space<semaphore_mem>>) src(%dma_wait3A_429 : memref<512x128xf32, #tpu.memory_space<hbm>>) dst(%arg4 : memref<512x128xf32, #tpu.memory_space<vmem>>)
    %add3A_430 = arith.constant 1 : i32
    %add3A_431 = arith.addi %mul3A_2, %add3A_430 : i32
    %dma_wait3A_432 = arith.constant 3 : i32
    %dma_wait3A_433 = arith.constant 1536 : i32
    %dma_wait3A_434 = arith.constant 0 : i32
    %dma_wait3A_435 = tpu.memref_slice %arg3[%add3A_431, %dma_wait3A_433, %dma_wait3A_434] : memref<128x2048x128xf32, #tpu.memory_space<hbm>> -> memref<1x512x128xf32, #tpu.memory_space<hbm>>
    %dma_wait3A_436 = tpu.memref_squeeze %dma_wait3A_435 : memref<1x512x128xf32, #tpu.memory_space<hbm>> -> memref<512x128xf32, #tpu.memory_space<hbm>>
    %dma_wait3A_437 = tpu.memref_slice %arg6[%dma_wait3A_432] : memref<4x!tpu.dma_semaphore, #tpu.memory_space<semaphore_mem>> -> memref<1x!tpu.dma_semaphore, #tpu.memory_space<semaphore_mem>>
    %dma_wait3A_438 = tpu.memref_squeeze %dma_wait3A_437 : memref<1x!tpu.dma_semaphore, #tpu.memory_space<semaphore_mem>> -> memref<!tpu.dma_semaphore, #tpu.memory_space<semaphore_mem>>
    %dma_wait3A_439 = arith.constant 1536 : i32
    %dma_wait3A_440 = arith.constant 0 : i32
    %dma_wait3A_441 = tpu.memref_slice %arg3[%add3A_431, %dma_wait3A_439, %dma_wait3A_440] : memref<128x2048x128xf32, #tpu.memory_space<hbm>> -> memref<1x512x128xf32, #tpu.memory_space<hbm>>
    %dma_wait3A_442 = tpu.memref_squeeze %dma_wait3A_441 : memref<1x512x128xf32, #tpu.memory_space<hbm>> -> memref<512x128xf32, #tpu.memory_space<hbm>>
    tpu.wait_dma2 semaphore(%dma_wait3A_438 : memref<!tpu.dma_semaphore, #tpu.memory_space<semaphore_mem>>) src(%arg5 : memref<512x128xf32, #tpu.memory_space<vmem>>) dst(%dma_wait3A_442 : memref<512x128xf32, #tpu.memory_space<hbm>>)
    %add3A_443 = arith.constant 2 : i32
    %add3A_444 = arith.addi %mul3A_2, %add3A_443 : i32
    %dma_start3A_445 = arith.constant 1 : i32
    %dma_start3A_446 = arith.constant 512 : i32
    %dma_start3A_447 = arith.constant 0 : i32
    %dma_start3A_448 = tpu.memref_slice %arg2[%add3A_444, %dma_start3A_446, %dma_start3A_447] : memref<128x2048x128xf32, #tpu.memory_space<hbm>> -> memref<1x512x128xf32, #tpu.memory_space<hbm>>
    %dma_start3A_449 = tpu.memref_squeeze %dma_start3A_448 : memref<1x512x128xf32, #tpu.memory_space<hbm>> -> memref<512x128xf32, #tpu.memory_space<hbm>>
    %dma_start3A_450 = tpu.memref_slice %arg6[%dma_start3A_445] : memref<4x!tpu.dma_semaphore, #tpu.memory_space<semaphore_mem>> -> memref<1x!tpu.dma_semaphore, #tpu.memory_space<semaphore_mem>>
    %dma_start3A_451 = tpu.memref_squeeze %dma_start3A_450 : memref<1x!tpu.dma_semaphore, #tpu.memory_space<semaphore_mem>> -> memref<!tpu.dma_semaphore, #tpu.memory_space<semaphore_mem>>
    %dma_start3A_452 = arith.constant 512 : i32
    %dma_start3A_453 = arith.constant 0 : i32
    %dma_start3A_454 = tpu.memref_slice %arg2[%add3A_444, %dma_start3A_452, %dma_start3A_453] : memref<128x2048x128xf32, #tpu.memory_space<hbm>> -> memref<1x512x128xf32, #tpu.memory_space<hbm>>
    %dma_start3A_455 = tpu.memref_squeeze %dma_start3A_454 : memref<1x512x128xf32, #tpu.memory_space<hbm>> -> memref<512x128xf32, #tpu.memory_space<hbm>>
    tpu.enqueue_dma source(%dma_start3A_455 : memref<512x128xf32, #tpu.memory_space<hbm>>) target(%arg5 : memref<512x128xf32, #tpu.memory_space<vmem>>) target_semaphore(%dma_start3A_451 : memref<!tpu.dma_semaphore, #tpu.memory_space<semaphore_mem>>)
    %add3A_456 = arith.constant 2 : i32
    %add3A_457 = arith.addi %mul3A_2, %add3A_456 : i32
    %dma_start3A_458 = arith.constant 2 : i32
    %dma_start3A_459 = arith.constant 0 : i32
    %dma_start3A_460 = arith.constant 0 : i32
    %dma_start3A_461 = tpu.memref_slice %arg3[%add3A_457, %dma_start3A_459, %dma_start3A_460] : memref<128x2048x128xf32, #tpu.memory_space<hbm>> -> memref<1x512x128xf32, #tpu.memory_space<hbm>>
    %dma_start3A_462 = tpu.memref_squeeze %dma_start3A_461 : memref<1x512x128xf32, #tpu.memory_space<hbm>> -> memref<512x128xf32, #tpu.memory_space<hbm>>
    %dma_start3A_463 = tpu.memref_slice %arg6[%dma_start3A_458] : memref<4x!tpu.dma_semaphore, #tpu.memory_space<semaphore_mem>> -> memref<1x!tpu.dma_semaphore, #tpu.memory_space<semaphore_mem>>
    %dma_start3A_464 = tpu.memref_squeeze %dma_start3A_463 : memref<1x!tpu.dma_semaphore, #tpu.memory_space<semaphore_mem>> -> memref<!tpu.dma_semaphore, #tpu.memory_space<semaphore_mem>>
    %dma_start3A_465 = arith.constant 0 : i32
    %dma_start3A_466 = arith.constant 0 : i32
    %dma_start3A_467 = tpu.memref_slice %arg3[%add3A_457, %dma_start3A_465, %dma_start3A_466] : memref<128x2048x128xf32, #tpu.memory_space<hbm>> -> memref<1x512x128xf32, #tpu.memory_space<hbm>>
    %dma_start3A_468 = tpu.memref_squeeze %dma_start3A_467 : memref<1x512x128xf32, #tpu.memory_space<hbm>> -> memref<512x128xf32, #tpu.memory_space<hbm>>
    tpu.enqueue_dma source(%arg4 : memref<512x128xf32, #tpu.memory_space<vmem>>) target(%dma_start3A_468 : memref<512x128xf32, #tpu.memory_space<hbm>>) target_semaphore(%dma_start3A_464 : memref<!tpu.dma_semaphore, #tpu.memory_space<semaphore_mem>>)
    %add3A_469 = arith.constant 2 : i32
    %add3A_470 = arith.addi %mul3A_2, %add3A_469 : i32
    %dma_wait3A_471 = arith.constant 1 : i32
    %dma_wait3A_472 = arith.constant 512 : i32
    %dma_wait3A_473 = arith.constant 0 : i32
    %dma_wait3A_474 = tpu.memref_slice %arg2[%add3A_470, %dma_wait3A_472, %dma_wait3A_473] : memref<128x2048x128xf32, #tpu.memory_space<hbm>> -> memref<1x512x128xf32, #tpu.memory_space<hbm>>
    %dma_wait3A_475 = tpu.memref_squeeze %dma_wait3A_474 : memref<1x512x128xf32, #tpu.memory_space<hbm>> -> memref<512x128xf32, #tpu.memory_space<hbm>>
    %dma_wait3A_476 = tpu.memref_slice %arg6[%dma_wait3A_471] : memref<4x!tpu.dma_semaphore, #tpu.memory_space<semaphore_mem>> -> memref<1x!tpu.dma_semaphore, #tpu.memory_space<semaphore_mem>>
    %dma_wait3A_477 = tpu.memref_squeeze %dma_wait3A_476 : memref<1x!tpu.dma_semaphore, #tpu.memory_space<semaphore_mem>> -> memref<!tpu.dma_semaphore, #tpu.memory_space<semaphore_mem>>
    %dma_wait3A_478 = arith.constant 512 : i32
    %dma_wait3A_479 = arith.constant 0 : i32
    %dma_wait3A_480 = tpu.memref_slice %arg2[%add3A_470, %dma_wait3A_478, %dma_wait3A_479] : memref<128x2048x128xf32, #tpu.memory_space<hbm>> -> memref<1x512x128xf32, #tpu.memory_space<hbm>>
    %dma_wait3A_481 = tpu.memref_squeeze %dma_wait3A_480 : memref<1x512x128xf32, #tpu.memory_space<hbm>> -> memref<512x128xf32, #tpu.memory_space<hbm>>
    tpu.wait_dma2 semaphore(%dma_wait3A_477 : memref<!tpu.dma_semaphore, #tpu.memory_space<semaphore_mem>>) src(%dma_wait3A_481 : memref<512x128xf32, #tpu.memory_space<hbm>>) dst(%arg5 : memref<512x128xf32, #tpu.memory_space<vmem>>)
    %add3A_482 = arith.constant 2 : i32
    %add3A_483 = arith.addi %mul3A_2, %add3A_482 : i32
    %dma_wait3A_484 = arith.constant 2 : i32
    %dma_wait3A_485 = arith.constant 0 : i32
    %dma_wait3A_486 = arith.constant 0 : i32
    %dma_wait3A_487 = tpu.memref_slice %arg3[%add3A_483, %dma_wait3A_485, %dma_wait3A_486] : memref<128x2048x128xf32, #tpu.memory_space<hbm>> -> memref<1x512x128xf32, #tpu.memory_space<hbm>>
    %dma_wait3A_488 = tpu.memref_squeeze %dma_wait3A_487 : memref<1x512x128xf32, #tpu.memory_space<hbm>> -> memref<512x128xf32, #tpu.memory_space<hbm>>
    %dma_wait3A_489 = tpu.memref_slice %arg6[%dma_wait3A_484] : memref<4x!tpu.dma_semaphore, #tpu.memory_space<semaphore_mem>> -> memref<1x!tpu.dma_semaphore, #tpu.memory_space<semaphore_mem>>
    %dma_wait3A_490 = tpu.memref_squeeze %dma_wait3A_489 : memref<1x!tpu.dma_semaphore, #tpu.memory_space<semaphore_mem>> -> memref<!tpu.dma_semaphore, #tpu.memory_space<semaphore_mem>>
    %dma_wait3A_491 = arith.constant 0 : i32
    %dma_wait3A_492 = arith.constant 0 : i32
    %dma_wait3A_493 = tpu.memref_slice %arg3[%add3A_483, %dma_wait3A_491, %dma_wait3A_492] : memref<128x2048x128xf32, #tpu.memory_space<hbm>> -> memref<1x512x128xf32, #tpu.memory_space<hbm>>
    %dma_wait3A_494 = tpu.memref_squeeze %dma_wait3A_493 : memref<1x512x128xf32, #tpu.memory_space<hbm>> -> memref<512x128xf32, #tpu.memory_space<hbm>>
    tpu.wait_dma2 semaphore(%dma_wait3A_490 : memref<!tpu.dma_semaphore, #tpu.memory_space<semaphore_mem>>) src(%arg4 : memref<512x128xf32, #tpu.memory_space<vmem>>) dst(%dma_wait3A_494 : memref<512x128xf32, #tpu.memory_space<hbm>>)
    %add3A_495 = arith.constant 2 : i32
    %add3A_496 = arith.addi %mul3A_2, %add3A_495 : i32
    %dma_start3A_497 = arith.constant 0 : i32
    %dma_start3A_498 = arith.constant 1024 : i32
    %dma_start3A_499 = arith.constant 0 : i32
    %dma_start3A_500 = tpu.memref_slice %arg2[%add3A_496, %dma_start3A_498, %dma_start3A_499] : memref<128x2048x128xf32, #tpu.memory_space<hbm>> -> memref<1x512x128xf32, #tpu.memory_space<hbm>>
    %dma_start3A_501 = tpu.memref_squeeze %dma_start3A_500 : memref<1x512x128xf32, #tpu.memory_space<hbm>> -> memref<512x128xf32, #tpu.memory_space<hbm>>
    %dma_start3A_502 = tpu.memref_slice %arg6[%dma_start3A_497] : memref<4x!tpu.dma_semaphore, #tpu.memory_space<semaphore_mem>> -> memref<1x!tpu.dma_semaphore, #tpu.memory_space<semaphore_mem>>
    %dma_start3A_503 = tpu.memref_squeeze %dma_start3A_502 : memref<1x!tpu.dma_semaphore, #tpu.memory_space<semaphore_mem>> -> memref<!tpu.dma_semaphore, #tpu.memory_space<semaphore_mem>>
    %dma_start3A_504 = arith.constant 1024 : i32
    %dma_start3A_505 = arith.constant 0 : i32
    %dma_start3A_506 = tpu.memref_slice %arg2[%add3A_496, %dma_start3A_504, %dma_start3A_505] : memref<128x2048x128xf32, #tpu.memory_space<hbm>> -> memref<1x512x128xf32, #tpu.memory_space<hbm>>
    %dma_start3A_507 = tpu.memref_squeeze %dma_start3A_506 : memref<1x512x128xf32, #tpu.memory_space<hbm>> -> memref<512x128xf32, #tpu.memory_space<hbm>>
    tpu.enqueue_dma source(%dma_start3A_507 : memref<512x128xf32, #tpu.memory_space<hbm>>) target(%arg4 : memref<512x128xf32, #tpu.memory_space<vmem>>) target_semaphore(%dma_start3A_503 : memref<!tpu.dma_semaphore, #tpu.memory_space<semaphore_mem>>)
    %add3A_508 = arith.constant 2 : i32
    %add3A_509 = arith.addi %mul3A_2, %add3A_508 : i32
    %dma_start3A_510 = arith.constant 3 : i32
    %dma_start3A_511 = arith.constant 512 : i32
    %dma_start3A_512 = arith.constant 0 : i32
    %dma_start3A_513 = tpu.memref_slice %arg3[%add3A_509, %dma_start3A_511, %dma_start3A_512] : memref<128x2048x128xf32, #tpu.memory_space<hbm>> -> memref<1x512x128xf32, #tpu.memory_space<hbm>>
    %dma_start3A_514 = tpu.memref_squeeze %dma_start3A_513 : memref<1x512x128xf32, #tpu.memory_space<hbm>> -> memref<512x128xf32, #tpu.memory_space<hbm>>
    %dma_start3A_515 = tpu.memref_slice %arg6[%dma_start3A_510] : memref<4x!tpu.dma_semaphore, #tpu.memory_space<semaphore_mem>> -> memref<1x!tpu.dma_semaphore, #tpu.memory_space<semaphore_mem>>
    %dma_start3A_516 = tpu.memref_squeeze %dma_start3A_515 : memref<1x!tpu.dma_semaphore, #tpu.memory_space<semaphore_mem>> -> memref<!tpu.dma_semaphore, #tpu.memory_space<semaphore_mem>>
    %dma_start3A_517 = arith.constant 512 : i32
    %dma_start3A_518 = arith.constant 0 : i32
    %dma_start3A_519 = tpu.memref_slice %arg3[%add3A_509, %dma_start3A_517, %dma_start3A_518] : memref<128x2048x128xf32, #tpu.memory_space<hbm>> -> memref<1x512x128xf32, #tpu.memory_space<hbm>>
    %dma_start3A_520 = tpu.memref_squeeze %dma_start3A_519 : memref<1x512x128xf32, #tpu.memory_space<hbm>> -> memref<512x128xf32, #tpu.memory_space<hbm>>
    tpu.enqueue_dma source(%arg5 : memref<512x128xf32, #tpu.memory_space<vmem>>) target(%dma_start3A_520 : memref<512x128xf32, #tpu.memory_space<hbm>>) target_semaphore(%dma_start3A_516 : memref<!tpu.dma_semaphore, #tpu.memory_space<semaphore_mem>>)
    %add3A_521 = arith.constant 2 : i32
    %add3A_522 = arith.addi %mul3A_2, %add3A_521 : i32
    %dma_wait3A_523 = arith.constant 0 : i32
    %dma_wait3A_524 = arith.constant 1024 : i32
    %dma_wait3A_525 = arith.constant 0 : i32
    %dma_wait3A_526 = tpu.memref_slice %arg2[%add3A_522, %dma_wait3A_524, %dma_wait3A_525] : memref<128x2048x128xf32, #tpu.memory_space<hbm>> -> memref<1x512x128xf32, #tpu.memory_space<hbm>>
    %dma_wait3A_527 = tpu.memref_squeeze %dma_wait3A_526 : memref<1x512x128xf32, #tpu.memory_space<hbm>> -> memref<512x128xf32, #tpu.memory_space<hbm>>
    %dma_wait3A_528 = tpu.memref_slice %arg6[%dma_wait3A_523] : memref<4x!tpu.dma_semaphore, #tpu.memory_space<semaphore_mem>> -> memref<1x!tpu.dma_semaphore, #tpu.memory_space<semaphore_mem>>
    %dma_wait3A_529 = tpu.memref_squeeze %dma_wait3A_528 : memref<1x!tpu.dma_semaphore, #tpu.memory_space<semaphore_mem>> -> memref<!tpu.dma_semaphore, #tpu.memory_space<semaphore_mem>>
    %dma_wait3A_530 = arith.constant 1024 : i32
    %dma_wait3A_531 = arith.constant 0 : i32
    %dma_wait3A_532 = tpu.memref_slice %arg2[%add3A_522, %dma_wait3A_530, %dma_wait3A_531] : memref<128x2048x128xf32, #tpu.memory_space<hbm>> -> memref<1x512x128xf32, #tpu.memory_space<hbm>>
    %dma_wait3A_533 = tpu.memref_squeeze %dma_wait3A_532 : memref<1x512x128xf32, #tpu.memory_space<hbm>> -> memref<512x128xf32, #tpu.memory_space<hbm>>
    tpu.wait_dma2 semaphore(%dma_wait3A_529 : memref<!tpu.dma_semaphore, #tpu.memory_space<semaphore_mem>>) src(%dma_wait3A_533 : memref<512x128xf32, #tpu.memory_space<hbm>>) dst(%arg4 : memref<512x128xf32, #tpu.memory_space<vmem>>)
    %add3A_534 = arith.constant 2 : i32
    %add3A_535 = arith.addi %mul3A_2, %add3A_534 : i32
    %dma_wait3A_536 = arith.constant 3 : i32
    %dma_wait3A_537 = arith.constant 512 : i32
    %dma_wait3A_538 = arith.constant 0 : i32
    %dma_wait3A_539 = tpu.memref_slice %arg3[%add3A_535, %dma_wait3A_537, %dma_wait3A_538] : memref<128x2048x128xf32, #tpu.memory_space<hbm>> -> memref<1x512x128xf32, #tpu.memory_space<hbm>>
    %dma_wait3A_540 = tpu.memref_squeeze %dma_wait3A_539 : memref<1x512x128xf32, #tpu.memory_space<hbm>> -> memref<512x128xf32, #tpu.memory_space<hbm>>
    %dma_wait3A_541 = tpu.memref_slice %arg6[%dma_wait3A_536] : memref<4x!tpu.dma_semaphore, #tpu.memory_space<semaphore_mem>> -> memref<1x!tpu.dma_semaphore, #tpu.memory_space<semaphore_mem>>
    %dma_wait3A_542 = tpu.memref_squeeze %dma_wait3A_541 : memref<1x!tpu.dma_semaphore, #tpu.memory_space<semaphore_mem>> -> memref<!tpu.dma_semaphore, #tpu.memory_space<semaphore_mem>>
    %dma_wait3A_543 = arith.constant 512 : i32
    %dma_wait3A_544 = arith.constant 0 : i32
    %dma_wait3A_545 = tpu.memref_slice %arg3[%add3A_535, %dma_wait3A_543, %dma_wait3A_544] : memref<128x2048x128xf32, #tpu.memory_space<hbm>> -> memref<1x512x128xf32, #tpu.memory_space<hbm>>
    %dma_wait3A_546 = tpu.memref_squeeze %dma_wait3A_545 : memref<1x512x128xf32, #tpu.memory_space<hbm>> -> memref<512x128xf32, #tpu.memory_space<hbm>>
    tpu.wait_dma2 semaphore(%dma_wait3A_542 : memref<!tpu.dma_semaphore, #tpu.memory_space<semaphore_mem>>) src(%arg5 : memref<512x128xf32, #tpu.memory_space<vmem>>) dst(%dma_wait3A_546 : memref<512x128xf32, #tpu.memory_space<hbm>>)
    %add3A_547 = arith.constant 2 : i32
    %add3A_548 = arith.addi %mul3A_2, %add3A_547 : i32
    %dma_start3A_549 = arith.constant 1 : i32
    %dma_start3A_550 = arith.constant 1536 : i32
    %dma_start3A_551 = arith.constant 0 : i32
    %dma_start3A_552 = tpu.memref_slice %arg2[%add3A_548, %dma_start3A_550, %dma_start3A_551] : memref<128x2048x128xf32, #tpu.memory_space<hbm>> -> memref<1x512x128xf32, #tpu.memory_space<hbm>>
    %dma_start3A_553 = tpu.memref_squeeze %dma_start3A_552 : memref<1x512x128xf32, #tpu.memory_space<hbm>> -> memref<512x128xf32, #tpu.memory_space<hbm>>
    %dma_start3A_554 = tpu.memref_slice %arg6[%dma_start3A_549] : memref<4x!tpu.dma_semaphore, #tpu.memory_space<semaphore_mem>> -> memref<1x!tpu.dma_semaphore, #tpu.memory_space<semaphore_mem>>
    %dma_start3A_555 = tpu.memref_squeeze %dma_start3A_554 : memref<1x!tpu.dma_semaphore, #tpu.memory_space<semaphore_mem>> -> memref<!tpu.dma_semaphore, #tpu.memory_space<semaphore_mem>>
    %dma_start3A_556 = arith.constant 1536 : i32
    %dma_start3A_557 = arith.constant 0 : i32
    %dma_start3A_558 = tpu.memref_slice %arg2[%add3A_548, %dma_start3A_556, %dma_start3A_557] : memref<128x2048x128xf32, #tpu.memory_space<hbm>> -> memref<1x512x128xf32, #tpu.memory_space<hbm>>
    %dma_start3A_559 = tpu.memref_squeeze %dma_start3A_558 : memref<1x512x128xf32, #tpu.memory_space<hbm>> -> memref<512x128xf32, #tpu.memory_space<hbm>>
    tpu.enqueue_dma source(%dma_start3A_559 : memref<512x128xf32, #tpu.memory_space<hbm>>) target(%arg5 : memref<512x128xf32, #tpu.memory_space<vmem>>) target_semaphore(%dma_start3A_555 : memref<!tpu.dma_semaphore, #tpu.memory_space<semaphore_mem>>)
    %add3A_560 = arith.constant 2 : i32
    %add3A_561 = arith.addi %mul3A_2, %add3A_560 : i32
    %dma_start3A_562 = arith.constant 2 : i32
    %dma_start3A_563 = arith.constant 1024 : i32
    %dma_start3A_564 = arith.constant 0 : i32
    %dma_start3A_565 = tpu.memref_slice %arg3[%add3A_561, %dma_start3A_563, %dma_start3A_564] : memref<128x2048x128xf32, #tpu.memory_space<hbm>> -> memref<1x512x128xf32, #tpu.memory_space<hbm>>
    %dma_start3A_566 = tpu.memref_squeeze %dma_start3A_565 : memref<1x512x128xf32, #tpu.memory_space<hbm>> -> memref<512x128xf32, #tpu.memory_space<hbm>>
    %dma_start3A_567 = tpu.memref_slice %arg6[%dma_start3A_562] : memref<4x!tpu.dma_semaphore, #tpu.memory_space<semaphore_mem>> -> memref<1x!tpu.dma_semaphore, #tpu.memory_space<semaphore_mem>>
    %dma_start3A_568 = tpu.memref_squeeze %dma_start3A_567 : memref<1x!tpu.dma_semaphore, #tpu.memory_space<semaphore_mem>> -> memref<!tpu.dma_semaphore, #tpu.memory_space<semaphore_mem>>
    %dma_start3A_569 = arith.constant 1024 : i32
    %dma_start3A_570 = arith.constant 0 : i32
    %dma_start3A_571 = tpu.memref_slice %arg3[%add3A_561, %dma_start3A_569, %dma_start3A_570] : memref<128x2048x128xf32, #tpu.memory_space<hbm>> -> memref<1x512x128xf32, #tpu.memory_space<hbm>>
    %dma_start3A_572 = tpu.memref_squeeze %dma_start3A_571 : memref<1x512x128xf32, #tpu.memory_space<hbm>> -> memref<512x128xf32, #tpu.memory_space<hbm>>
    tpu.enqueue_dma source(%arg4 : memref<512x128xf32, #tpu.memory_space<vmem>>) target(%dma_start3A_572 : memref<512x128xf32, #tpu.memory_space<hbm>>) target_semaphore(%dma_start3A_568 : memref<!tpu.dma_semaphore, #tpu.memory_space<semaphore_mem>>)
    %add3A_573 = arith.constant 2 : i32
    %add3A_574 = arith.addi %mul3A_2, %add3A_573 : i32
    %dma_wait3A_575 = arith.constant 1 : i32
    %dma_wait3A_576 = arith.constant 1536 : i32
    %dma_wait3A_577 = arith.constant 0 : i32
    %dma_wait3A_578 = tpu.memref_slice %arg2[%add3A_574, %dma_wait3A_576, %dma_wait3A_577] : memref<128x2048x128xf32, #tpu.memory_space<hbm>> -> memref<1x512x128xf32, #tpu.memory_space<hbm>>
    %dma_wait3A_579 = tpu.memref_squeeze %dma_wait3A_578 : memref<1x512x128xf32, #tpu.memory_space<hbm>> -> memref<512x128xf32, #tpu.memory_space<hbm>>
    %dma_wait3A_580 = tpu.memref_slice %arg6[%dma_wait3A_575] : memref<4x!tpu.dma_semaphore, #tpu.memory_space<semaphore_mem>> -> memref<1x!tpu.dma_semaphore, #tpu.memory_space<semaphore_mem>>
    %dma_wait3A_581 = tpu.memref_squeeze %dma_wait3A_580 : memref<1x!tpu.dma_semaphore, #tpu.memory_space<semaphore_mem>> -> memref<!tpu.dma_semaphore, #tpu.memory_space<semaphore_mem>>
    %dma_wait3A_582 = arith.constant 1536 : i32
    %dma_wait3A_583 = arith.constant 0 : i32
    %dma_wait3A_584 = tpu.memref_slice %arg2[%add3A_574, %dma_wait3A_582, %dma_wait3A_583] : memref<128x2048x128xf32, #tpu.memory_space<hbm>> -> memref<1x512x128xf32, #tpu.memory_space<hbm>>
    %dma_wait3A_585 = tpu.memref_squeeze %dma_wait3A_584 : memref<1x512x128xf32, #tpu.memory_space<hbm>> -> memref<512x128xf32, #tpu.memory_space<hbm>>
    tpu.wait_dma2 semaphore(%dma_wait3A_581 : memref<!tpu.dma_semaphore, #tpu.memory_space<semaphore_mem>>) src(%dma_wait3A_585 : memref<512x128xf32, #tpu.memory_space<hbm>>) dst(%arg5 : memref<512x128xf32, #tpu.memory_space<vmem>>)
    %add3A_586 = arith.constant 2 : i32
    %add3A_587 = arith.addi %mul3A_2, %add3A_586 : i32
    %dma_wait3A_588 = arith.constant 2 : i32
    %dma_wait3A_589 = arith.constant 1024 : i32
    %dma_wait3A_590 = arith.constant 0 : i32
    %dma_wait3A_591 = tpu.memref_slice %arg3[%add3A_587, %dma_wait3A_589, %dma_wait3A_590] : memref<128x2048x128xf32, #tpu.memory_space<hbm>> -> memref<1x512x128xf32, #tpu.memory_space<hbm>>
    %dma_wait3A_592 = tpu.memref_squeeze %dma_wait3A_591 : memref<1x512x128xf32, #tpu.memory_space<hbm>> -> memref<512x128xf32, #tpu.memory_space<hbm>>
    %dma_wait3A_593 = tpu.memref_slice %arg6[%dma_wait3A_588] : memref<4x!tpu.dma_semaphore, #tpu.memory_space<semaphore_mem>> -> memref<1x!tpu.dma_semaphore, #tpu.memory_space<semaphore_mem>>
    %dma_wait3A_594 = tpu.memref_squeeze %dma_wait3A_593 : memref<1x!tpu.dma_semaphore, #tpu.memory_space<semaphore_mem>> -> memref<!tpu.dma_semaphore, #tpu.memory_space<semaphore_mem>>
    %dma_wait3A_595 = arith.constant 1024 : i32
    %dma_wait3A_596 = arith.constant 0 : i32
    %dma_wait3A_597 = tpu.memref_slice %arg3[%add3A_587, %dma_wait3A_595, %dma_wait3A_596] : memref<128x2048x128xf32, #tpu.memory_space<hbm>> -> memref<1x512x128xf32, #tpu.memory_space<hbm>>
    %dma_wait3A_598 = tpu.memref_squeeze %dma_wait3A_597 : memref<1x512x128xf32, #tpu.memory_space<hbm>> -> memref<512x128xf32, #tpu.memory_space<hbm>>
    tpu.wait_dma2 semaphore(%dma_wait3A_594 : memref<!tpu.dma_semaphore, #tpu.memory_space<semaphore_mem>>) src(%arg4 : memref<512x128xf32, #tpu.memory_space<vmem>>) dst(%dma_wait3A_598 : memref<512x128xf32, #tpu.memory_space<hbm>>)
    %add3A_599 = arith.constant 3 : i32
    %add3A_600 = arith.addi %mul3A_2, %add3A_599 : i32
    %dma_start3A_601 = arith.constant 0 : i32
    %dma_start3A_602 = arith.constant 0 : i32
    %dma_start3A_603 = arith.constant 0 : i32
    %dma_start3A_604 = tpu.memref_slice %arg2[%add3A_600, %dma_start3A_602, %dma_start3A_603] : memref<128x2048x128xf32, #tpu.memory_space<hbm>> -> memref<1x512x128xf32, #tpu.memory_space<hbm>>
    %dma_start3A_605 = tpu.memref_squeeze %dma_start3A_604 : memref<1x512x128xf32, #tpu.memory_space<hbm>> -> memref<512x128xf32, #tpu.memory_space<hbm>>
    %dma_start3A_606 = tpu.memref_slice %arg6[%dma_start3A_601] : memref<4x!tpu.dma_semaphore, #tpu.memory_space<semaphore_mem>> -> memref<1x!tpu.dma_semaphore, #tpu.memory_space<semaphore_mem>>
    %dma_start3A_607 = tpu.memref_squeeze %dma_start3A_606 : memref<1x!tpu.dma_semaphore, #tpu.memory_space<semaphore_mem>> -> memref<!tpu.dma_semaphore, #tpu.memory_space<semaphore_mem>>
    %dma_start3A_608 = arith.constant 0 : i32
    %dma_start3A_609 = arith.constant 0 : i32
    %dma_start3A_610 = tpu.memref_slice %arg2[%add3A_600, %dma_start3A_608, %dma_start3A_609] : memref<128x2048x128xf32, #tpu.memory_space<hbm>> -> memref<1x512x128xf32, #tpu.memory_space<hbm>>
    %dma_start3A_611 = tpu.memref_squeeze %dma_start3A_610 : memref<1x512x128xf32, #tpu.memory_space<hbm>> -> memref<512x128xf32, #tpu.memory_space<hbm>>
    tpu.enqueue_dma source(%dma_start3A_611 : memref<512x128xf32, #tpu.memory_space<hbm>>) target(%arg4 : memref<512x128xf32, #tpu.memory_space<vmem>>) target_semaphore(%dma_start3A_607 : memref<!tpu.dma_semaphore, #tpu.memory_space<semaphore_mem>>)
    %add3A_612 = arith.constant 2 : i32
    %add3A_613 = arith.addi %mul3A_2, %add3A_612 : i32
    %dma_start3A_614 = arith.constant 3 : i32
    %dma_start3A_615 = arith.constant 1536 : i32
    %dma_start3A_616 = arith.constant 0 : i32
    %dma_start3A_617 = tpu.memref_slice %arg3[%add3A_613, %dma_start3A_615, %dma_start3A_616] : memref<128x2048x128xf32, #tpu.memory_space<hbm>> -> memref<1x512x128xf32, #tpu.memory_space<hbm>>
    %dma_start3A_618 = tpu.memref_squeeze %dma_start3A_617 : memref<1x512x128xf32, #tpu.memory_space<hbm>> -> memref<512x128xf32, #tpu.memory_space<hbm>>
    %dma_start3A_619 = tpu.memref_slice %arg6[%dma_start3A_614] : memref<4x!tpu.dma_semaphore, #tpu.memory_space<semaphore_mem>> -> memref<1x!tpu.dma_semaphore, #tpu.memory_space<semaphore_mem>>
    %dma_start3A_620 = tpu.memref_squeeze %dma_start3A_619 : memref<1x!tpu.dma_semaphore, #tpu.memory_space<semaphore_mem>> -> memref<!tpu.dma_semaphore, #tpu.memory_space<semaphore_mem>>
    %dma_start3A_621 = arith.constant 1536 : i32
    %dma_start3A_622 = arith.constant 0 : i32
    %dma_start3A_623 = tpu.memref_slice %arg3[%add3A_613, %dma_start3A_621, %dma_start3A_622] : memref<128x2048x128xf32, #tpu.memory_space<hbm>> -> memref<1x512x128xf32, #tpu.memory_space<hbm>>
    %dma_start3A_624 = tpu.memref_squeeze %dma_start3A_623 : memref<1x512x128xf32, #tpu.memory_space<hbm>> -> memref<512x128xf32, #tpu.memory_space<hbm>>
    tpu.enqueue_dma source(%arg5 : memref<512x128xf32, #tpu.memory_space<vmem>>) target(%dma_start3A_624 : memref<512x128xf32, #tpu.memory_space<hbm>>) target_semaphore(%dma_start3A_620 : memref<!tpu.dma_semaphore, #tpu.memory_space<semaphore_mem>>)
    %add3A_625 = arith.constant 3 : i32
    %add3A_626 = arith.addi %mul3A_2, %add3A_625 : i32
    %dma_wait3A_627 = arith.constant 0 : i32
    %dma_wait3A_628 = arith.constant 0 : i32
    %dma_wait3A_629 = arith.constant 0 : i32
    %dma_wait3A_630 = tpu.memref_slice %arg2[%add3A_626, %dma_wait3A_628, %dma_wait3A_629] : memref<128x2048x128xf32, #tpu.memory_space<hbm>> -> memref<1x512x128xf32, #tpu.memory_space<hbm>>
    %dma_wait3A_631 = tpu.memref_squeeze %dma_wait3A_630 : memref<1x512x128xf32, #tpu.memory_space<hbm>> -> memref<512x128xf32, #tpu.memory_space<hbm>>
    %dma_wait3A_632 = tpu.memref_slice %arg6[%dma_wait3A_627] : memref<4x!tpu.dma_semaphore, #tpu.memory_space<semaphore_mem>> -> memref<1x!tpu.dma_semaphore, #tpu.memory_space<semaphore_mem>>
    %dma_wait3A_633 = tpu.memref_squeeze %dma_wait3A_632 : memref<1x!tpu.dma_semaphore, #tpu.memory_space<semaphore_mem>> -> memref<!tpu.dma_semaphore, #tpu.memory_space<semaphore_mem>>
    %dma_wait3A_634 = arith.constant 0 : i32
    %dma_wait3A_635 = arith.constant 0 : i32
    %dma_wait3A_636 = tpu.memref_slice %arg2[%add3A_626, %dma_wait3A_634, %dma_wait3A_635] : memref<128x2048x128xf32, #tpu.memory_space<hbm>> -> memref<1x512x128xf32, #tpu.memory_space<hbm>>
    %dma_wait3A_637 = tpu.memref_squeeze %dma_wait3A_636 : memref<1x512x128xf32, #tpu.memory_space<hbm>> -> memref<512x128xf32, #tpu.memory_space<hbm>>
    tpu.wait_dma2 semaphore(%dma_wait3A_633 : memref<!tpu.dma_semaphore, #tpu.memory_space<semaphore_mem>>) src(%dma_wait3A_637 : memref<512x128xf32, #tpu.memory_space<hbm>>) dst(%arg4 : memref<512x128xf32, #tpu.memory_space<vmem>>)
    %add3A_638 = arith.constant 2 : i32
    %add3A_639 = arith.addi %mul3A_2, %add3A_638 : i32
    %dma_wait3A_640 = arith.constant 3 : i32
    %dma_wait3A_641 = arith.constant 1536 : i32
    %dma_wait3A_642 = arith.constant 0 : i32
    %dma_wait3A_643 = tpu.memref_slice %arg3[%add3A_639, %dma_wait3A_641, %dma_wait3A_642] : memref<128x2048x128xf32, #tpu.memory_space<hbm>> -> memref<1x512x128xf32, #tpu.memory_space<hbm>>
    %dma_wait3A_644 = tpu.memref_squeeze %dma_wait3A_643 : memref<1x512x128xf32, #tpu.memory_space<hbm>> -> memref<512x128xf32, #tpu.memory_space<hbm>>
    %dma_wait3A_645 = tpu.memref_slice %arg6[%dma_wait3A_640] : memref<4x!tpu.dma_semaphore, #tpu.memory_space<semaphore_mem>> -> memref<1x!tpu.dma_semaphore, #tpu.memory_space<semaphore_mem>>
    %dma_wait3A_646 = tpu.memref_squeeze %dma_wait3A_645 : memref<1x!tpu.dma_semaphore, #tpu.memory_space<semaphore_mem>> -> memref<!tpu.dma_semaphore, #tpu.memory_space<semaphore_mem>>
    %dma_wait3A_647 = arith.constant 1536 : i32
    %dma_wait3A_648 = arith.constant 0 : i32
    %dma_wait3A_649 = tpu.memref_slice %arg3[%add3A_639, %dma_wait3A_647, %dma_wait3A_648] : memref<128x2048x128xf32, #tpu.memory_space<hbm>> -> memref<1x512x128xf32, #tpu.memory_space<hbm>>
    %dma_wait3A_650 = tpu.memref_squeeze %dma_wait3A_649 : memref<1x512x128xf32, #tpu.memory_space<hbm>> -> memref<512x128xf32, #tpu.memory_space<hbm>>
    tpu.wait_dma2 semaphore(%dma_wait3A_646 : memref<!tpu.dma_semaphore, #tpu.memory_space<semaphore_mem>>) src(%arg5 : memref<512x128xf32, #tpu.memory_space<vmem>>) dst(%dma_wait3A_650 : memref<512x128xf32, #tpu.memory_space<hbm>>)
    %add3A_651 = arith.constant 3 : i32
    %add3A_652 = arith.addi %mul3A_2, %add3A_651 : i32
    %dma_start3A_653 = arith.constant 1 : i32
    %dma_start3A_654 = arith.constant 512 : i32
    %dma_start3A_655 = arith.constant 0 : i32
    %dma_start3A_656 = tpu.memref_slice %arg2[%add3A_652, %dma_start3A_654, %dma_start3A_655] : memref<128x2048x128xf32, #tpu.memory_space<hbm>> -> memref<1x512x128xf32, #tpu.memory_space<hbm>>
    %dma_start3A_657 = tpu.memref_squeeze %dma_start3A_656 : memref<1x512x128xf32, #tpu.memory_space<hbm>> -> memref<512x128xf32, #tpu.memory_space<hbm>>
    %dma_start3A_658 = tpu.memref_slice %arg6[%dma_start3A_653] : memref<4x!tpu.dma_semaphore, #tpu.memory_space<semaphore_mem>> -> memref<1x!tpu.dma_semaphore, #tpu.memory_space<semaphore_mem>>
    %dma_start3A_659 = tpu.memref_squeeze %dma_start3A_658 : memref<1x!tpu.dma_semaphore, #tpu.memory_space<semaphore_mem>> -> memref<!tpu.dma_semaphore, #tpu.memory_space<semaphore_mem>>
    %dma_start3A_660 = arith.constant 512 : i32
    %dma_start3A_661 = arith.constant 0 : i32
    %dma_start3A_662 = tpu.memref_slice %arg2[%add3A_652, %dma_start3A_660, %dma_start3A_661] : memref<128x2048x128xf32, #tpu.memory_space<hbm>> -> memref<1x512x128xf32, #tpu.memory_space<hbm>>
    %dma_start3A_663 = tpu.memref_squeeze %dma_start3A_662 : memref<1x512x128xf32, #tpu.memory_space<hbm>> -> memref<512x128xf32, #tpu.memory_space<hbm>>
    tpu.enqueue_dma source(%dma_start3A_663 : memref<512x128xf32, #tpu.memory_space<hbm>>) target(%arg5 : memref<512x128xf32, #tpu.memory_space<vmem>>) target_semaphore(%dma_start3A_659 : memref<!tpu.dma_semaphore, #tpu.memory_space<semaphore_mem>>)
    %add3A_664 = arith.constant 3 : i32
    %add3A_665 = arith.addi %mul3A_2, %add3A_664 : i32
    %dma_start3A_666 = arith.constant 2 : i32
    %dma_start3A_667 = arith.constant 0 : i32
    %dma_start3A_668 = arith.constant 0 : i32
    %dma_start3A_669 = tpu.memref_slice %arg3[%add3A_665, %dma_start3A_667, %dma_start3A_668] : memref<128x2048x128xf32, #tpu.memory_space<hbm>> -> memref<1x512x128xf32, #tpu.memory_space<hbm>>
    %dma_start3A_670 = tpu.memref_squeeze %dma_start3A_669 : memref<1x512x128xf32, #tpu.memory_space<hbm>> -> memref<512x128xf32, #tpu.memory_space<hbm>>
    %dma_start3A_671 = tpu.memref_slice %arg6[%dma_start3A_666] : memref<4x!tpu.dma_semaphore, #tpu.memory_space<semaphore_mem>> -> memref<1x!tpu.dma_semaphore, #tpu.memory_space<semaphore_mem>>
    %dma_start3A_672 = tpu.memref_squeeze %dma_start3A_671 : memref<1x!tpu.dma_semaphore, #tpu.memory_space<semaphore_mem>> -> memref<!tpu.dma_semaphore, #tpu.memory_space<semaphore_mem>>
    %dma_start3A_673 = arith.constant 0 : i32
    %dma_start3A_674 = arith.constant 0 : i32
    %dma_start3A_675 = tpu.memref_slice %arg3[%add3A_665, %dma_start3A_673, %dma_start3A_674] : memref<128x2048x128xf32, #tpu.memory_space<hbm>> -> memref<1x512x128xf32, #tpu.memory_space<hbm>>
    %dma_start3A_676 = tpu.memref_squeeze %dma_start3A_675 : memref<1x512x128xf32, #tpu.memory_space<hbm>> -> memref<512x128xf32, #tpu.memory_space<hbm>>
    tpu.enqueue_dma source(%arg4 : memref<512x128xf32, #tpu.memory_space<vmem>>) target(%dma_start3A_676 : memref<512x128xf32, #tpu.memory_space<hbm>>) target_semaphore(%dma_start3A_672 : memref<!tpu.dma_semaphore, #tpu.memory_space<semaphore_mem>>)
    %add3A_677 = arith.constant 3 : i32
    %add3A_678 = arith.addi %mul3A_2, %add3A_677 : i32
    %dma_wait3A_679 = arith.constant 1 : i32
    %dma_wait3A_680 = arith.constant 512 : i32
    %dma_wait3A_681 = arith.constant 0 : i32
    %dma_wait3A_682 = tpu.memref_slice %arg2[%add3A_678, %dma_wait3A_680, %dma_wait3A_681] : memref<128x2048x128xf32, #tpu.memory_space<hbm>> -> memref<1x512x128xf32, #tpu.memory_space<hbm>>
    %dma_wait3A_683 = tpu.memref_squeeze %dma_wait3A_682 : memref<1x512x128xf32, #tpu.memory_space<hbm>> -> memref<512x128xf32, #tpu.memory_space<hbm>>
    %dma_wait3A_684 = tpu.memref_slice %arg6[%dma_wait3A_679] : memref<4x!tpu.dma_semaphore, #tpu.memory_space<semaphore_mem>> -> memref<1x!tpu.dma_semaphore, #tpu.memory_space<semaphore_mem>>
    %dma_wait3A_685 = tpu.memref_squeeze %dma_wait3A_684 : memref<1x!tpu.dma_semaphore, #tpu.memory_space<semaphore_mem>> -> memref<!tpu.dma_semaphore, #tpu.memory_space<semaphore_mem>>
    %dma_wait3A_686 = arith.constant 512 : i32
    %dma_wait3A_687 = arith.constant 0 : i32
    %dma_wait3A_688 = tpu.memref_slice %arg2[%add3A_678, %dma_wait3A_686, %dma_wait3A_687] : memref<128x2048x128xf32, #tpu.memory_space<hbm>> -> memref<1x512x128xf32, #tpu.memory_space<hbm>>
    %dma_wait3A_689 = tpu.memref_squeeze %dma_wait3A_688 : memref<1x512x128xf32, #tpu.memory_space<hbm>> -> memref<512x128xf32, #tpu.memory_space<hbm>>
    tpu.wait_dma2 semaphore(%dma_wait3A_685 : memref<!tpu.dma_semaphore, #tpu.memory_space<semaphore_mem>>) src(%dma_wait3A_689 : memref<512x128xf32, #tpu.memory_space<hbm>>) dst(%arg5 : memref<512x128xf32, #tpu.memory_space<vmem>>)
    %add3A_690 = arith.constant 3 : i32
    %add3A_691 = arith.addi %mul3A_2, %add3A_690 : i32
    %dma_wait3A_692 = arith.constant 2 : i32
    %dma_wait3A_693 = arith.constant 0 : i32
    %dma_wait3A_694 = arith.constant 0 : i32
    %dma_wait3A_695 = tpu.memref_slice %arg3[%add3A_691, %dma_wait3A_693, %dma_wait3A_694] : memref<128x2048x128xf32, #tpu.memory_space<hbm>> -> memref<1x512x128xf32, #tpu.memory_space<hbm>>
    %dma_wait3A_696 = tpu.memref_squeeze %dma_wait3A_695 : memref<1x512x128xf32, #tpu.memory_space<hbm>> -> memref<512x128xf32, #tpu.memory_space<hbm>>
    %dma_wait3A_697 = tpu.memref_slice %arg6[%dma_wait3A_692] : memref<4x!tpu.dma_semaphore, #tpu.memory_space<semaphore_mem>> -> memref<1x!tpu.dma_semaphore, #tpu.memory_space<semaphore_mem>>
    %dma_wait3A_698 = tpu.memref_squeeze %dma_wait3A_697 : memref<1x!tpu.dma_semaphore, #tpu.memory_space<semaphore_mem>> -> memref<!tpu.dma_semaphore, #tpu.memory_space<semaphore_mem>>
    %dma_wait3A_699 = arith.constant 0 : i32
    %dma_wait3A_700 = arith.constant 0 : i32
    %dma_wait3A_701 = tpu.memref_slice %arg3[%add3A_691, %dma_wait3A_699, %dma_wait3A_700] : memref<128x2048x128xf32, #tpu.memory_space<hbm>> -> memref<1x512x128xf32, #tpu.memory_space<hbm>>
    %dma_wait3A_702 = tpu.memref_squeeze %dma_wait3A_701 : memref<1x512x128xf32, #tpu.memory_space<hbm>> -> memref<512x128xf32, #tpu.memory_space<hbm>>
    tpu.wait_dma2 semaphore(%dma_wait3A_698 : memref<!tpu.dma_semaphore, #tpu.memory_space<semaphore_mem>>) src(%arg4 : memref<512x128xf32, #tpu.memory_space<vmem>>) dst(%dma_wait3A_702 : memref<512x128xf32, #tpu.memory_space<hbm>>)
    %add3A_703 = arith.constant 3 : i32
    %add3A_704 = arith.addi %mul3A_2, %add3A_703 : i32
    %dma_start3A_705 = arith.constant 0 : i32
    %dma_start3A_706 = arith.constant 1024 : i32
    %dma_start3A_707 = arith.constant 0 : i32
    %dma_start3A_708 = tpu.memref_slice %arg2[%add3A_704, %dma_start3A_706, %dma_start3A_707] : memref<128x2048x128xf32, #tpu.memory_space<hbm>> -> memref<1x512x128xf32, #tpu.memory_space<hbm>>
    %dma_start3A_709 = tpu.memref_squeeze %dma_start3A_708 : memref<1x512x128xf32, #tpu.memory_space<hbm>> -> memref<512x128xf32, #tpu.memory_space<hbm>>
    %dma_start3A_710 = tpu.memref_slice %arg6[%dma_start3A_705] : memref<4x!tpu.dma_semaphore, #tpu.memory_space<semaphore_mem>> -> memref<1x!tpu.dma_semaphore, #tpu.memory_space<semaphore_mem>>
    %dma_start3A_711 = tpu.memref_squeeze %dma_start3A_710 : memref<1x!tpu.dma_semaphore, #tpu.memory_space<semaphore_mem>> -> memref<!tpu.dma_semaphore, #tpu.memory_space<semaphore_mem>>
    %dma_start3A_712 = arith.constant 1024 : i32
    %dma_start3A_713 = arith.constant 0 : i32
    %dma_start3A_714 = tpu.memref_slice %arg2[%add3A_704, %dma_start3A_712, %dma_start3A_713] : memref<128x2048x128xf32, #tpu.memory_space<hbm>> -> memref<1x512x128xf32, #tpu.memory_space<hbm>>
    %dma_start3A_715 = tpu.memref_squeeze %dma_start3A_714 : memref<1x512x128xf32, #tpu.memory_space<hbm>> -> memref<512x128xf32, #tpu.memory_space<hbm>>
    tpu.enqueue_dma source(%dma_start3A_715 : memref<512x128xf32, #tpu.memory_space<hbm>>) target(%arg4 : memref<512x128xf32, #tpu.memory_space<vmem>>) target_semaphore(%dma_start3A_711 : memref<!tpu.dma_semaphore, #tpu.memory_space<semaphore_mem>>)
    %add3A_716 = arith.constant 3 : i32
    %add3A_717 = arith.addi %mul3A_2, %add3A_716 : i32
    %dma_start3A_718 = arith.constant 3 : i32
    %dma_start3A_719 = arith.constant 512 : i32
    %dma_start3A_720 = arith.constant 0 : i32
    %dma_start3A_721 = tpu.memref_slice %arg3[%add3A_717, %dma_start3A_719, %dma_start3A_720] : memref<128x2048x128xf32, #tpu.memory_space<hbm>> -> memref<1x512x128xf32, #tpu.memory_space<hbm>>
    %dma_start3A_722 = tpu.memref_squeeze %dma_start3A_721 : memref<1x512x128xf32, #tpu.memory_space<hbm>> -> memref<512x128xf32, #tpu.memory_space<hbm>>
    %dma_start3A_723 = tpu.memref_slice %arg6[%dma_start3A_718] : memref<4x!tpu.dma_semaphore, #tpu.memory_space<semaphore_mem>> -> memref<1x!tpu.dma_semaphore, #tpu.memory_space<semaphore_mem>>
    %dma_start3A_724 = tpu.memref_squeeze %dma_start3A_723 : memref<1x!tpu.dma_semaphore, #tpu.memory_space<semaphore_mem>> -> memref<!tpu.dma_semaphore, #tpu.memory_space<semaphore_mem>>
    %dma_start3A_725 = arith.constant 512 : i32
    %dma_start3A_726 = arith.constant 0 : i32
    %dma_start3A_727 = tpu.memref_slice %arg3[%add3A_717, %dma_start3A_725, %dma_start3A_726] : memref<128x2048x128xf32, #tpu.memory_space<hbm>> -> memref<1x512x128xf32, #tpu.memory_space<hbm>>
    %dma_start3A_728 = tpu.memref_squeeze %dma_start3A_727 : memref<1x512x128xf32, #tpu.memory_space<hbm>> -> memref<512x128xf32, #tpu.memory_space<hbm>>
    tpu.enqueue_dma source(%arg5 : memref<512x128xf32, #tpu.memory_space<vmem>>) target(%dma_start3A_728 : memref<512x128xf32, #tpu.memory_space<hbm>>) target_semaphore(%dma_start3A_724 : memref<!tpu.dma_semaphore, #tpu.memory_space<semaphore_mem>>)
    %add3A_729 = arith.constant 3 : i32
    %add3A_730 = arith.addi %mul3A_2, %add3A_729 : i32
    %dma_wait3A_731 = arith.constant 0 : i32
    %dma_wait3A_732 = arith.constant 1024 : i32
    %dma_wait3A_733 = arith.constant 0 : i32
    %dma_wait3A_734 = tpu.memref_slice %arg2[%add3A_730, %dma_wait3A_732, %dma_wait3A_733] : memref<128x2048x128xf32, #tpu.memory_space<hbm>> -> memref<1x512x128xf32, #tpu.memory_space<hbm>>
    %dma_wait3A_735 = tpu.memref_squeeze %dma_wait3A_734 : memref<1x512x128xf32, #tpu.memory_space<hbm>> -> memref<512x128xf32, #tpu.memory_space<hbm>>
    %dma_wait3A_736 = tpu.memref_slice %arg6[%dma_wait3A_731] : memref<4x!tpu.dma_semaphore, #tpu.memory_space<semaphore_mem>> -> memref<1x!tpu.dma_semaphore, #tpu.memory_space<semaphore_mem>>
    %dma_wait3A_737 = tpu.memref_squeeze %dma_wait3A_736 : memref<1x!tpu.dma_semaphore, #tpu.memory_space<semaphore_mem>> -> memref<!tpu.dma_semaphore, #tpu.memory_space<semaphore_mem>>
    %dma_wait3A_738 = arith.constant 1024 : i32
    %dma_wait3A_739 = arith.constant 0 : i32
    %dma_wait3A_740 = tpu.memref_slice %arg2[%add3A_730, %dma_wait3A_738, %dma_wait3A_739] : memref<128x2048x128xf32, #tpu.memory_space<hbm>> -> memref<1x512x128xf32, #tpu.memory_space<hbm>>
    %dma_wait3A_741 = tpu.memref_squeeze %dma_wait3A_740 : memref<1x512x128xf32, #tpu.memory_space<hbm>> -> memref<512x128xf32, #tpu.memory_space<hbm>>
    tpu.wait_dma2 semaphore(%dma_wait3A_737 : memref<!tpu.dma_semaphore, #tpu.memory_space<semaphore_mem>>) src(%dma_wait3A_741 : memref<512x128xf32, #tpu.memory_space<hbm>>) dst(%arg4 : memref<512x128xf32, #tpu.memory_space<vmem>>)
    %add3A_742 = arith.constant 3 : i32
    %add3A_743 = arith.addi %mul3A_2, %add3A_742 : i32
    %dma_wait3A_744 = arith.constant 3 : i32
    %dma_wait3A_745 = arith.constant 512 : i32
    %dma_wait3A_746 = arith.constant 0 : i32
    %dma_wait3A_747 = tpu.memref_slice %arg3[%add3A_743, %dma_wait3A_745, %dma_wait3A_746] : memref<128x2048x128xf32, #tpu.memory_space<hbm>> -> memref<1x512x128xf32, #tpu.memory_space<hbm>>
    %dma_wait3A_748 = tpu.memref_squeeze %dma_wait3A_747 : memref<1x512x128xf32, #tpu.memory_space<hbm>> -> memref<512x128xf32, #tpu.memory_space<hbm>>
    %dma_wait3A_749 = tpu.memref_slice %arg6[%dma_wait3A_744] : memref<4x!tpu.dma_semaphore, #tpu.memory_space<semaphore_mem>> -> memref<1x!tpu.dma_semaphore, #tpu.memory_space<semaphore_mem>>
    %dma_wait3A_750 = tpu.memref_squeeze %dma_wait3A_749 : memref<1x!tpu.dma_semaphore, #tpu.memory_space<semaphore_mem>> -> memref<!tpu.dma_semaphore, #tpu.memory_space<semaphore_mem>>
    %dma_wait3A_751 = arith.constant 512 : i32
    %dma_wait3A_752 = arith.constant 0 : i32
    %dma_wait3A_753 = tpu.memref_slice %arg3[%add3A_743, %dma_wait3A_751, %dma_wait3A_752] : memref<128x2048x128xf32, #tpu.memory_space<hbm>> -> memref<1x512x128xf32, #tpu.memory_space<hbm>>
    %dma_wait3A_754 = tpu.memref_squeeze %dma_wait3A_753 : memref<1x512x128xf32, #tpu.memory_space<hbm>> -> memref<512x128xf32, #tpu.memory_space<hbm>>
    tpu.wait_dma2 semaphore(%dma_wait3A_750 : memref<!tpu.dma_semaphore, #tpu.memory_space<semaphore_mem>>) src(%arg5 : memref<512x128xf32, #tpu.memory_space<vmem>>) dst(%dma_wait3A_754 : memref<512x128xf32, #tpu.memory_space<hbm>>)
    %add3A_755 = arith.constant 3 : i32
    %add3A_756 = arith.addi %mul3A_2, %add3A_755 : i32
    %dma_start3A_757 = arith.constant 1 : i32
    %dma_start3A_758 = arith.constant 1536 : i32
    %dma_start3A_759 = arith.constant 0 : i32
    %dma_start3A_760 = tpu.memref_slice %arg2[%add3A_756, %dma_start3A_758, %dma_start3A_759] : memref<128x2048x128xf32, #tpu.memory_space<hbm>> -> memref<1x512x128xf32, #tpu.memory_space<hbm>>
    %dma_start3A_761 = tpu.memref_squeeze %dma_start3A_760 : memref<1x512x128xf32, #tpu.memory_space<hbm>> -> memref<512x128xf32, #tpu.memory_space<hbm>>
    %dma_start3A_762 = tpu.memref_slice %arg6[%dma_start3A_757] : memref<4x!tpu.dma_semaphore, #tpu.memory_space<semaphore_mem>> -> memref<1x!tpu.dma_semaphore, #tpu.memory_space<semaphore_mem>>
    %dma_start3A_763 = tpu.memref_squeeze %dma_start3A_762 : memref<1x!tpu.dma_semaphore, #tpu.memory_space<semaphore_mem>> -> memref<!tpu.dma_semaphore, #tpu.memory_space<semaphore_mem>>
    %dma_start3A_764 = arith.constant 1536 : i32
    %dma_start3A_765 = arith.constant 0 : i32
    %dma_start3A_766 = tpu.memref_slice %arg2[%add3A_756, %dma_start3A_764, %dma_start3A_765] : memref<128x2048x128xf32, #tpu.memory_space<hbm>> -> memref<1x512x128xf32, #tpu.memory_space<hbm>>
    %dma_start3A_767 = tpu.memref_squeeze %dma_start3A_766 : memref<1x512x128xf32, #tpu.memory_space<hbm>> -> memref<512x128xf32, #tpu.memory_space<hbm>>
    tpu.enqueue_dma source(%dma_start3A_767 : memref<512x128xf32, #tpu.memory_space<hbm>>) target(%arg5 : memref<512x128xf32, #tpu.memory_space<vmem>>) target_semaphore(%dma_start3A_763 : memref<!tpu.dma_semaphore, #tpu.memory_space<semaphore_mem>>)
    %add3A_768 = arith.constant 3 : i32
    %add3A_769 = arith.addi %mul3A_2, %add3A_768 : i32
    %dma_start3A_770 = arith.constant 2 : i32
    %dma_start3A_771 = arith.constant 1024 : i32
    %dma_start3A_772 = arith.constant 0 : i32
    %dma_start3A_773 = tpu.memref_slice %arg3[%add3A_769, %dma_start3A_771, %dma_start3A_772] : memref<128x2048x128xf32, #tpu.memory_space<hbm>> -> memref<1x512x128xf32, #tpu.memory_space<hbm>>
    %dma_start3A_774 = tpu.memref_squeeze %dma_start3A_773 : memref<1x512x128xf32, #tpu.memory_space<hbm>> -> memref<512x128xf32, #tpu.memory_space<hbm>>
    %dma_start3A_775 = tpu.memref_slice %arg6[%dma_start3A_770] : memref<4x!tpu.dma_semaphore, #tpu.memory_space<semaphore_mem>> -> memref<1x!tpu.dma_semaphore, #tpu.memory_space<semaphore_mem>>
    %dma_start3A_776 = tpu.memref_squeeze %dma_start3A_775 : memref<1x!tpu.dma_semaphore, #tpu.memory_space<semaphore_mem>> -> memref<!tpu.dma_semaphore, #tpu.memory_space<semaphore_mem>>
    %dma_start3A_777 = arith.constant 1024 : i32
    %dma_start3A_778 = arith.constant 0 : i32
    %dma_start3A_779 = tpu.memref_slice %arg3[%add3A_769, %dma_start3A_777, %dma_start3A_778] : memref<128x2048x128xf32, #tpu.memory_space<hbm>> -> memref<1x512x128xf32, #tpu.memory_space<hbm>>
    %dma_start3A_780 = tpu.memref_squeeze %dma_start3A_779 : memref<1x512x128xf32, #tpu.memory_space<hbm>> -> memref<512x128xf32, #tpu.memory_space<hbm>>
    tpu.enqueue_dma source(%arg4 : memref<512x128xf32, #tpu.memory_space<vmem>>) target(%dma_start3A_780 : memref<512x128xf32, #tpu.memory_space<hbm>>) target_semaphore(%dma_start3A_776 : memref<!tpu.dma_semaphore, #tpu.memory_space<semaphore_mem>>)
    %add3A_781 = arith.constant 3 : i32
    %add3A_782 = arith.addi %mul3A_2, %add3A_781 : i32
    %dma_wait3A_783 = arith.constant 1 : i32
    %dma_wait3A_784 = arith.constant 1536 : i32
    %dma_wait3A_785 = arith.constant 0 : i32
    %dma_wait3A_786 = tpu.memref_slice %arg2[%add3A_782, %dma_wait3A_784, %dma_wait3A_785] : memref<128x2048x128xf32, #tpu.memory_space<hbm>> -> memref<1x512x128xf32, #tpu.memory_space<hbm>>
    %dma_wait3A_787 = tpu.memref_squeeze %dma_wait3A_786 : memref<1x512x128xf32, #tpu.memory_space<hbm>> -> memref<512x128xf32, #tpu.memory_space<hbm>>
    %dma_wait3A_788 = tpu.memref_slice %arg6[%dma_wait3A_783] : memref<4x!tpu.dma_semaphore, #tpu.memory_space<semaphore_mem>> -> memref<1x!tpu.dma_semaphore, #tpu.memory_space<semaphore_mem>>
    %dma_wait3A_789 = tpu.memref_squeeze %dma_wait3A_788 : memref<1x!tpu.dma_semaphore, #tpu.memory_space<semaphore_mem>> -> memref<!tpu.dma_semaphore, #tpu.memory_space<semaphore_mem>>
    %dma_wait3A_790 = arith.constant 1536 : i32
    %dma_wait3A_791 = arith.constant 0 : i32
    %dma_wait3A_792 = tpu.memref_slice %arg2[%add3A_782, %dma_wait3A_790, %dma_wait3A_791] : memref<128x2048x128xf32, #tpu.memory_space<hbm>> -> memref<1x512x128xf32, #tpu.memory_space<hbm>>
    %dma_wait3A_793 = tpu.memref_squeeze %dma_wait3A_792 : memref<1x512x128xf32, #tpu.memory_space<hbm>> -> memref<512x128xf32, #tpu.memory_space<hbm>>
    tpu.wait_dma2 semaphore(%dma_wait3A_789 : memref<!tpu.dma_semaphore, #tpu.memory_space<semaphore_mem>>) src(%dma_wait3A_793 : memref<512x128xf32, #tpu.memory_space<hbm>>) dst(%arg5 : memref<512x128xf32, #tpu.memory_space<vmem>>)
    %add3A_794 = arith.constant 3 : i32
    %add3A_795 = arith.addi %mul3A_2, %add3A_794 : i32
    %dma_start3A_796 = arith.constant 3 : i32
    %dma_start3A_797 = arith.constant 1536 : i32
    %dma_start3A_798 = arith.constant 0 : i32
    %dma_start3A_799 = tpu.memref_slice %arg3[%add3A_795, %dma_start3A_797, %dma_start3A_798] : memref<128x2048x128xf32, #tpu.memory_space<hbm>> -> memref<1x512x128xf32, #tpu.memory_space<hbm>>
    %dma_start3A_800 = tpu.memref_squeeze %dma_start3A_799 : memref<1x512x128xf32, #tpu.memory_space<hbm>> -> memref<512x128xf32, #tpu.memory_space<hbm>>
    %dma_start3A_801 = tpu.memref_slice %arg6[%dma_start3A_796] : memref<4x!tpu.dma_semaphore, #tpu.memory_space<semaphore_mem>> -> memref<1x!tpu.dma_semaphore, #tpu.memory_space<semaphore_mem>>
    %dma_start3A_802 = tpu.memref_squeeze %dma_start3A_801 : memref<1x!tpu.dma_semaphore, #tpu.memory_space<semaphore_mem>> -> memref<!tpu.dma_semaphore, #tpu.memory_space<semaphore_mem>>
    %dma_start3A_803 = arith.constant 1536 : i32
    %dma_start3A_804 = arith.constant 0 : i32
    %dma_start3A_805 = tpu.memref_slice %arg3[%add3A_795, %dma_start3A_803, %dma_start3A_804] : memref<128x2048x128xf32, #tpu.memory_space<hbm>> -> memref<1x512x128xf32, #tpu.memory_space<hbm>>
    %dma_start3A_806 = tpu.memref_squeeze %dma_start3A_805 : memref<1x512x128xf32, #tpu.memory_space<hbm>> -> memref<512x128xf32, #tpu.memory_space<hbm>>
    tpu.enqueue_dma source(%arg5 : memref<512x128xf32, #tpu.memory_space<vmem>>) target(%dma_start3A_806 : memref<512x128xf32, #tpu.memory_space<hbm>>) target_semaphore(%dma_start3A_802 : memref<!tpu.dma_semaphore, #tpu.memory_space<semaphore_mem>>)
    %add3A_807 = arith.constant 3 : i32
    %add3A_808 = arith.addi %mul3A_2, %add3A_807 : i32
    %dma_wait3A_809 = arith.constant 2 : i32
    %dma_wait3A_810 = arith.constant 1024 : i32
    %dma_wait3A_811 = arith.constant 0 : i32
    %dma_wait3A_812 = tpu.memref_slice %arg3[%add3A_808, %dma_wait3A_810, %dma_wait3A_811] : memref<128x2048x128xf32, #tpu.memory_space<hbm>> -> memref<1x512x128xf32, #tpu.memory_space<hbm>>
    %dma_wait3A_813 = tpu.memref_squeeze %dma_wait3A_812 : memref<1x512x128xf32, #tpu.memory_space<hbm>> -> memref<512x128xf32, #tpu.memory_space<hbm>>
    %dma_wait3A_814 = tpu.memref_slice %arg6[%dma_wait3A_809] : memref<4x!tpu.dma_semaphore, #tpu.memory_space<semaphore_mem>> -> memref<1x!tpu.dma_semaphore, #tpu.memory_space<semaphore_mem>>
    %dma_wait3A_815 = tpu.memref_squeeze %dma_wait3A_814 : memref<1x!tpu.dma_semaphore, #tpu.memory_space<semaphore_mem>> -> memref<!tpu.dma_semaphore, #tpu.memory_space<semaphore_mem>>
    %dma_wait3A_816 = arith.constant 1024 : i32
    %dma_wait3A_817 = arith.constant 0 : i32
    %dma_wait3A_818 = tpu.memref_slice %arg3[%add3A_808, %dma_wait3A_816, %dma_wait3A_817] : memref<128x2048x128xf32, #tpu.memory_space<hbm>> -> memref<1x512x128xf32, #tpu.memory_space<hbm>>
    %dma_wait3A_819 = tpu.memref_squeeze %dma_wait3A_818 : memref<1x512x128xf32, #tpu.memory_space<hbm>> -> memref<512x128xf32, #tpu.memory_space<hbm>>
    tpu.wait_dma2 semaphore(%dma_wait3A_815 : memref<!tpu.dma_semaphore, #tpu.memory_space<semaphore_mem>>) src(%arg4 : memref<512x128xf32, #tpu.memory_space<vmem>>) dst(%dma_wait3A_819 : memref<512x128xf32, #tpu.memory_space<hbm>>)
    %add3A_820 = arith.constant 3 : i32
    %add3A_821 = arith.addi %mul3A_2, %add3A_820 : i32
    %dma_wait3A_822 = arith.constant 3 : i32
    %dma_wait3A_823 = arith.constant 1536 : i32
    %dma_wait3A_824 = arith.constant 0 : i32
    %dma_wait3A_825 = tpu.memref_slice %arg3[%add3A_821, %dma_wait3A_823, %dma_wait3A_824] : memref<128x2048x128xf32, #tpu.memory_space<hbm>> -> memref<1x512x128xf32, #tpu.memory_space<hbm>>
    %dma_wait3A_826 = tpu.memref_squeeze %dma_wait3A_825 : memref<1x512x128xf32, #tpu.memory_space<hbm>> -> memref<512x128xf32, #tpu.memory_space<hbm>>
    %dma_wait3A_827 = tpu.memref_slice %arg6[%dma_wait3A_822] : memref<4x!tpu.dma_semaphore, #tpu.memory_space<semaphore_mem>> -> memref<1x!tpu.dma_semaphore, #tpu.memory_space<semaphore_mem>>
    %dma_wait3A_828 = tpu.memref_squeeze %dma_wait3A_827 : memref<1x!tpu.dma_semaphore, #tpu.memory_space<semaphore_mem>> -> memref<!tpu.dma_semaphore, #tpu.memory_space<semaphore_mem>>
    %dma_wait3A_829 = arith.constant 1536 : i32
    %dma_wait3A_830 = arith.constant 0 : i32
    %dma_wait3A_831 = tpu.memref_slice %arg3[%add3A_821, %dma_wait3A_829, %dma_wait3A_830] : memref<128x2048x128xf32, #tpu.memory_space<hbm>> -> memref<1x512x128xf32, #tpu.memory_space<hbm>>
    %dma_wait3A_832 = tpu.memref_squeeze %dma_wait3A_831 : memref<1x512x128xf32, #tpu.memory_space<hbm>> -> memref<512x128xf32, #tpu.memory_space<hbm>>
    tpu.wait_dma2 semaphore(%dma_wait3A_828 : memref<!tpu.dma_semaphore, #tpu.memory_space<semaphore_mem>>) src(%arg5 : memref<512x128xf32, #tpu.memory_space<vmem>>) dst(%dma_wait3A_832 : memref<512x128xf32, #tpu.memory_space<hbm>>)
    return
  }
}

module attributes {stable_mosaic.version = 14 : i64} {
  func.func @_tc_body(%arg0: i32, %arg1: memref<4x2048x128xf32, #tpu.memory_space<vmem>>, %arg2: memref<4x2048x128xf32, #tpu.memory_space<vmem>>) attributes {dimension_semantics = [#tpu.dimension_semantics<arbitrary>], iteration_bounds = array<i64: 32>, scalar_prefetch = 0 : i64, scratch_operands = 0 : i64, tpu.core_type = #tpu.core_type<tc>, window_params = [{transform_indices = @transform_0, window_bounds = array<i64: 4, 2048, 128>}, {transform_indices = @transform_1, window_bounds = array<i64: 4, 2048, 128>}]} {
    %get3A = arith.constant 0 : index
    %get3A_0 = arith.constant 0 : index
    %get3A_1 = arith.constant 0 : index
    %get3A_2 = vector.load %arg1[%get3A, %get3A_0, %get3A_1] : memref<4x2048x128xf32, #tpu.memory_space<vmem>>, vector<4x2048x128xf32>
    %swap3A = arith.constant 0 : index
    %swap3A_3 = arith.constant 0 : index
    %swap3A_4 = arith.constant 0 : index
    %swap3A_5 = vector.load %arg2[%swap3A, %swap3A_3, %swap3A_4] : memref<4x2048x128xf32, #tpu.memory_space<vmem>>, vector<4x2048x128xf32>
    tpu.vector_store %arg2[%swap3A, %swap3A_3, %swap3A_4], %get3A_2 {strides = array<i32>} : memref<4x2048x128xf32, #tpu.memory_space<vmem>>, vector<4x2048x128xf32>,
    return
  }
  func.func @transform_0(%arg0: i32) -> (i32, i32, i32) {
    %c0_i32 = arith.constant 0 : i32
    %c0_i32_0 = arith.constant 0 : i32
    %c0_i32_1 = arith.constant 0 : i32
    return %arg0, %c0_i32, %c0_i32_0 : i32, i32, i32
  }
  func.func @transform_1(%arg0: i32) -> (i32, i32, i32) {
    %c0_i32 = arith.constant 0 : i32
    %c0_i32_0 = arith.constant 0 : i32
    %c0_i32_1 = arith.constant 0 : i32
    return %arg0, %c0_i32, %c0_i32_0 : i32, i32, i32
  }
}

</mosaic_0001>

<sc_bundles>
// kernel: kernel.4.cloned.1.call-start
scs
__scs_entry_jumppad:
0x0: {  	(pc) =	sbr.rel $0x88, $3  }
0x1: {  	(tag) =	ssettag $0x0;
	lr =	simm.s32 $0x1  }
0x2: {  	[smem:$0x3F9F] =	sst lr;
	_ =	strace $0xD0000000  }
0x3: {  	_ = 	snop  }
0x4: {  	_ = 	snop  }
0x5: {  	_ = 	snop  }
0x6: {  	_ = 	snop  }
0x7: {  	_ = 	snop  }
__scs_overlays_trampoline_lowered:
0x8: {  	[smem:$0x3FAE] =	sst s0  }
0x9: {  	[smem:$0x3FAF] =	sst s1  }
0xa: {  	[smem:$0x3FB0] =	sst s2  }
0xb: {  	[smem:$0x3FB1] =	sst s3  }
0xc: {  	[smem:$0x3FB2] =	sst s4  }
0xd: {  	[smem:$0x3FB3] =	sst s5  }
0xe: {  	[smem:$0x3FB4] =	sst s6  }
0xf: {  	[smem:$0x3FB5] =	sst s7  }
0x10: {  	[smem:$0x3FB6] =	sst s8  }
0x11: {  	[smem:$0x3FB7] =	sst s9;
	s0 =	simm.s32 @!p0 $0x0  }
0x12: {  	s1 =	sld [smem:$0x3F9D];
	s0 =	simm.s32 @p0 $0x1  }
0x13: {  	[smem:$0x3FB8] =	sst s0;
	s0 =	simm.s32 @!p1 $0x0  }
0x14: {  	s2 =	sld [smem:$0x3F9C];
	s0 =	simm.s32 @p1 $0x1  }
0x15: {  	[smem:$0x3FB9] =	sst s0;
	s0 =	simm.s32 @!p2 $0x0  }
0x16: {  	s3 =	sld [smem:$0x3FDB];
	s0 =	simm.s32 @p2 $0x1  }
0x17: {  	s4 =	simm.s32 $0x1BF5;
	[smem:$0x3FBB] =	sst s0  }
0x18: {  	s0 =	sld [smem:$0x3F9E];
	_ =	swait.ge [sflag:s4], $0x0  }
0x19: {  	s7 =	sld [smem:$0x3F9F]  }
0x1a: {  	s8 =	sadd.s32 $0xFFFFE003, lr  }
0x1b: {  	s9 =	sadd.s32 $0xFFFFFEF7, lr;
	s5 =	simm.s32 $0xFFFFFFFF;
	p2 =	slt.u32 s8, $0xFFFFF086  }
0x1c: {  	p1 =	slt.u32 s9, $0xF7A;
	s5 =	simm.s32 @!p2 $0x0  }
0x1d: {  	s5 =	simm.s32 @p1 $0x1;
	p0 =	seq.s32 s7, s2  }
0x1e: {  	s7 =	smul.u32 @!p0 $0xF7A, s2;
	p2 =	seq.s32 @!p0 s5, $0x0  }
0x1f: {  	s9 =	smul.u32 $0xF7A, s1;
	s8 =	simm.s32 @!p0 $0x1BF5;
	p2 =	por !p2, p0  }
0x20: {  	[sflag:s8] =	ssyncset.s32 @!p0 $0xFFFFF086;
	s6 =	sadd.s32 @!p0 s3, s7;
	s7 =	simm.s32 @!p0 $0x108  }
0x21: {  	s3 =	sadd.s32 s3, s9;
	s6 =	sadd.s32 @!p0 $0x88, s6;
	s7 =	simm.s32 @p2 $0x1082  }
0x22: {  	[simem:s7], [sflag:s8] =	dma.local @!p0 [hbm:s6], $0xF7A  }
0x23: {  	s9 =	sor.u32 $0xD0000000, s2;
	s6 =	simm.s32 $0x108;
	_ =	swait.ge @!p0 [sflag:s8], $0x0  }
0x24: {  	s3 =	sadd.s32 $0x88, s3;
	s6 =	simm.s32 @!p1 $0x1082;
	[sflag:s4] =	ssyncset.s32 $0xFFFFF086  }
0x25: {  	[simem:s6], [sflag:s4] =	dma.local [hbm:s3], $0xF7A  }
0x26: {  	[smem:$0x3F9F] =	sst s1;
	(tag) =	ssettag s2;
	_ =	strace s9  }
0x27: {  	s1 =	sld [smem:$0x3FAF]  }
0x28: {  	s2 =	sld [smem:$0x3FB0]  }
0x29: {  	s4 =	sld [smem:$0x3FB2]  }
0x2a: {  	p0 =	seq.s32 s5, $0x0;
	s5 =	sld [smem:$0x3FB3]  }
0x2b: {  	s6 =	sld [smem:$0x3FB4]  }
0x2c: {  	s7 =	sld [smem:$0x3FB5]  }
0x2d: {  	s3 =	simm.s32 $0x108;
	s8 =	sld [smem:$0x3FB6]  }
0x2e: {  	s3 =	simm.s32 @!p0 $0x1082;
	s9 =	sld [smem:$0x3FB7]  }
0x2f: {  	lr =	sadd.s32 s0, s3;
	s0 =	sld [smem:$0x3FAE]  }
0x30: {  	s3 =	sld [smem:$0x3FB1]  }
0x31: {  	[smem:$0x3FBA] =	sst s10  }
0x32: {  	s10 =	sld [smem:$0x3FB8];
	_ =	sdelay $0x3  }
0x33: {  	p0 =	seq.s32 s10, $0x1;
	s10 =	sld [smem:$0x3FBA];
	_ =	sdelay $0x3  }
0x34: {  	[smem:$0x3FBA] =	sst s10  }
0x35: {  	s10 =	sld [smem:$0x3FB9];
	_ =	sdelay $0x3  }
0x36: {  	p1 =	seq.s32 s10, $0x1;
	s10 =	sld [smem:$0x3FBA];
	_ =	sdelay $0x3  }
0x37: {  	[smem:$0x3FBA] =	sst s10  }
0x38: {  	s10 =	sld [smem:$0x3FBB]  }
0x39: {  	_ = 	snop;
	(pc) =	sbr.ind lr, $3  }
0x3a: {  	_ = 	snop  }
0x3b: {  	_ = 	snop  }
0x3c: {  	p2 =	seq.s32 s10, $0x1;
	s10 =	sld [smem:$0x3FBA]  }
0x3d: {  	_ =	shalt  }
0x3e: {  	_ =	shalt  }
0x3f: {  	_ =	shalt  }
0x40: {  	_ =	shalt  }
0x41: {  	_ =	shalt  }
0x42: {  	_ =	shalt  }
0x43: {  	_ =	shalt  }
0x44: {  	_ =	shalt  }
0x45: {  	_ =	shalt  }
0x46: {  	_ =	shalt  }
0x47: {  	_ =	shalt  }
0x48: {  	_ =	shalt  }
0x49: {  	_ =	shalt  }
0x4a: {  	_ =	shalt  }
0x4b: {  	_ =	shalt  }
0x4c: {  	_ =	shalt  }
0x4d: {  	_ =	shalt  }
0x4e: {  	_ =	shalt  }
0x4f: {  	_ =	shalt  }
0x50: {  	_ =	shalt  }
0x51: {  	_ =	shalt  }
0x52: {  	_ =	shalt  }
0x53: {  	_ =	shalt  }
0x54: {  	_ =	shalt  }
0x55: {  	_ =	shalt  }
0x56: {  	_ =	shalt  }
0x57: {  	_ =	shalt  }
0x58: {  	_ =	shalt  }
0x59: {  	_ =	shalt  }
0x5a: {  	_ =	shalt  }
0x5b: {  	_ =	shalt  }
0x5c: {  	_ =	shalt  }
0x5d: {  	_ =	shalt  }
0x5e: {  	_ =	shalt  }
0x5f: {  	_ =	shalt  }
0x60: {  	_ =	shalt  }
0x61: {  	_ =	shalt  }
0x62: {  	_ =	shalt  }
0x63: {  	_ =	shalt  }
0x64: {  	_ =	shalt  }
0x65: {  	_ =	shalt  }
0x66: {  	_ =	shalt  }
0x67: {  	_ =	shalt  }
0x68: {  	_ =	shalt  }
0x69: {  	_ =	shalt  }
0x6a: {  	_ =	shalt  }
0x6b: {  	_ =	shalt  }
0x6c: {  	_ =	shalt  }
0x6d: {  	_ =	shalt  }
0x6e: {  	_ =	shalt  }
0x6f: {  	_ =	shalt  }
0x70: {  	_ =	shalt  }
0x71: {  	_ =	shalt  }
0x72: {  	_ =	shalt  }
0x73: {  	_ =	shalt  }
0x74: {  	_ =	shalt  }
0x75: {  	_ =	shalt  }
0x76: {  	_ =	shalt  }
0x77: {  	_ =	shalt  }
0x78: {  	_ =	shalt  }
0x79: {  	_ =	shalt  }
0x7a: {  	_ =	shalt  }
0x7b: {  	_ =	shalt  }
0x7c: {  	_ =	shalt  }
0x7d: {  	_ =	shalt  }
0x7e: {  	_ =	shalt  }
0x7f: {  	_ =	shalt  }
0x80: {  	_ =	shalt  }
0x81: {  	_ =	shalt  }
0x82: {  	_ =	shalt  }
0x83: {  	_ =	shalt  }
0x84: {  	_ =	shalt  }
0x85: {  	_ =	shalt  }
0x86: {  	_ =	shalt  }
0x87: {  	_ =	shalt  }
.Lfunc_end0:
.L_simem_size_0:
called_computation_lowered:
.L_overlay_start_0:
0x88: {  	s2 =	sld [smem:$0x3FD9]  }
0x89: {  	s3 =	sld [smem:$0x3FFE];
	_ =	sdelay $0x1  }
0x8a: {  	s1 =	srdreg.scid  }
0x8b: {  	s0 =	sand.u32 $0x1, s1  }
0x8c: {  	s15 =	sshll.u32 s0, $0xA;
	s2 =	sadd.s32 s3, s2  }
0x8d: {  	s2 =	sadd.s32 s2, s15  }
0x8e: {  	[smem:$0x3FC6] =	sst s2  }
0x8f: {  	_ = 	snop  }
0x90: {  	s2 =	sld [smem:$0x3FD0];
	_ =	sdelay $0x2  }
0x91: {  	s4 =	simm.s32 $0xA;
	s5 =	simm.s32 $0x10;
	s16 =	sld [smem:$0x3FC9]  }
0x92: {  	[smem:s5], [sflag:s4] =	dma.local [hbm:s2], $0x1  }
0x93: {  	_ =	swait.eq [sflag:s4], $0x1  }
0x94: {  	[sflag:s4] =	ssyncset.done $0x0  }
0x95: {  	[sflag:s4] =	ssyncadd.s32 $0xFFFFFFFF  }
0x96: {  	s17 =	sld [smem:$0x10];
	(tm) =	ssettm $0x1  }
0x97: {  	s18 =	sld [smem:$0x3FFB];
	_ =	sdelay $0x3  }
0x98: {  	_ =	strace s18  }
0x99: {  	s4 =	sld [smem:$0x3FFC];
	_ =	sdelay $0x3  }
0x9a: {  	_ =	strace s4  }
0x9b: {  	s4 =	sld [smem:$0x3FFD];
	_ =	sdelay $0x3  }
0x9c: {  	_ =	strace s4  }
0x9d: {  	_ =	strace $0x8FFFFFFF  }
0x9e: {  	s19 =	sld [smem:$0x3FDB];
	_ =	sdelay $0x1  }
0x9f: {  	s20 =	simm.s32 $_scs_section_size  }
0xa0: {  	s6 =	simm.s32 $_size__tile_overlayer_lowered;
	s7 =	simm.s32 $_tile_overlayer_lowered  }
0xa1: {  	s23 =	simm.s32 $0x1BFF;
	s22 =	sshll.u32 s7, $0x1;
	s4 =	sadd.s32 s20, s19  }
0xa2: {  	s8 =	simm.s32 $0x0;
	s21 =	sshll.u32 s6, $0x1;
	s6 =	sadd.s32 s22, s4  }
0xa3: {  	[timem:s8], [sflag:s23] =	dma.local [hbm:s6], s21  }
0xa4: {  	_ =	swait.ge [sflag:s23], s21  }
0xa5: {  	s5 =	ssub.s32 $0x0, s21;
	[sflag:s23] =	ssyncset.done $0x0  }
0xa6: {  	[sflag:s23] =	ssyncadd.s32 s5;
	_ =	sdelay $0x1  }
0xa7: {  	s24 =	simm.s32 $0x1B8B  }
0xa8: {  	_ =	swait.ge [sflag:s24], $0x1  }
0xa9: {  	[sflag:s24] =	ssyncset.done $0x0  }
0xaa: {  	s25 =	simm.s32 $0x1B8E;
	[sflag:s24] =	ssyncadd.s32 $0xFFFFFFFF  }
0xab: {  	s26 =	simm.s32 $execute0_lowered;
	[smem:$0x3FD2] =	sst s25  }
0xac: {  	s5 =	sshll.u32 s26, $0x1;
	_ =	strace $0x80000046;
	[dreg:$0x1] =	wrdreg $0xFFFFFFFF  }
0xad: {  	s28 =	simm.s32 $_size_execute0_lowered;
	s4 =	sadd.s32 s4, s5;
	[dreg:$0x0] =	wrdreg $0x0  }
0xae: {  	s5 =	sshll.u32 s28, $0x1;
	[dreg:$0x2] =	wrdreg s4  }
0xaf: {  	[dreg:$0x3] =	wrdreg s5  }
0xb0: {  	[dreg:$0x4] =	wrdreg $0xC0  }
0xb1: {  	_ =	task [dreg:s8], $0x5FFFF  }
0xb2: {  	[dreg:$0x1] =	wrdreg $0xFFFFFFFF  }
0xb3: {  	[dreg:$0x0] =	wrdreg $0x60  }
0xb4: {  	[dreg:$0x2] =	wrdreg s16  }
0xb5: {  	[dreg:$0x3] =	wrdreg s17  }
0xb6: {  	[dreg:$0x4] =	wrdreg $0x9  }
0xb7: {  	_ =	task.clear_ibuf [dreg:s8], $0x5FFFF;
	_ =	strace $0x90000046  }
0xb8: {  	s29 =	simm.s32 $0x9;
	_ =	strace $0x80000048  }
0xb9: {  	_ =	swait.ge [sflag:s29], $0x1  }
0xba: {  	[sflag:s29] =	ssyncadd.s32 $0xFFFFFFFF  }
0xbb: {  	_ =	strace $0x90000048  }
0xbc: {  	_ =	sfence  }
0xbd: {  	s30 =	sld [smem:$0x0];
	_ =	sdelay $0x2  }
0xbe: {  	s31 =	sshll.u32 s1, $0xD;
	s1 =	sshrl.u32 s1, $0x2  }
0xbf: {  	s3 =	sand.u32 $0x4000, s31;
	s1 =	sadd.s32 s1, s30  }
0xc0: {  	s0 =	sor.u32 s3, s0;
	s1 =	sshll.u32 s1, $0x11  }
0xc1: {  	s0 =	sor.u32 s1, s0  }
0xc2: {  	s0 =	sadd.s32 $0x8F2B, s0  }
0xc3: {  	[sflag:s0] =	ssyncadd.remote.s32 $0x1  }
0xc4: {  	_ =	sfence.sel $0xFFFF  }
0xc5: {  	[dreg:$0x0] =	wrdreg $0xFFFFFFFF;
	(pc) =	sbr.abs _section_cstart, $3  }
0xc6: {  	[dreg:$0x1] =	wrdreg $0xFFFFFFFF  }
0xc7: {  	_ =	task.clear_ibuf [dreg:s8], $0x2FFFF;
	_ =	strace $0x9FFFFFFF  }
0xc8: {  	(tm) =	ssettm $0x7FFFFFFF  }
0xc9: {  	_ =	shalt  }
tec
execute0_lowered:
.L_overlay_start_1:
0x0: {  	(tag) =	ssettag $0x1  }
0x1: {  	s9 =	rddreg [dreg:$0x0]  }
0x2: {  	s0 =	rddreg [dreg:$0x1]  }
0x3: {  	s1 =	srdreg.scid;
	s5 =	stileid.u32  }
0x4: {  	s2 =	simm.s32 $0x0;
	p0 =	por $0x0, $0x0;
	s1 =	sand.u32 $0x1, s1  }
0x5: {  	s31 =	simm.s32 $0x1;
	s5 =	sshll.u32 s5, $0x11;
	s4 =	sshll.u32 s1, $0x15  }
0x6: {  	[smem:$0x7FF] =	sst s2;
	s1 =	ssub.s32 $0x2, s1;
	s4 =	sor.u32 s5, s4  }
0x7: {  	_ =	strace $0x80000047;
	s8 =	sshrl.u32 s1, $0x1;
	s5 =	sadd.s32 s9, s4  }
0x8: {  	s6 =	sor.u32 $0x2000, s4;
	s19 =	sadd.s32 s0, s4;
	s7 =	sor.u32 $0x4000, s4  }
0x9: {  	s22 =	sor.u32 $0x6000, s4;
	s25 =	sor.u32 $0x8000, s4;
	s1 =	ssub.s32 s1, s8  }
0xa: {  	s8 =	sor.u32 $0xC000, s4;
	s10 =	sor.u32 $0xE000, s4;
	s11 =	sor.u32 $0x10000, s4  }
0xb: {  	s12 =	sor.u32 $0x12000, s4;
	s13 =	sor.u32 $0x14000, s4;
	s14 =	sor.u32 $0x16000, s4  }
0xc: {  	s15 =	sor.u32 $0x18000, s4;
	[dreg:$0x3] =	wrdreg s5;
	s18 =	sadd.s32 s9, s6  }
0xd: {  	[dreg:$0x5] =	wrdreg s19;
	s20 =	sadd.s32 s9, s7;
	s21 =	sadd.s32 s0, s6  }
0xe: {  	s23 =	sadd.s32 s9, s22;
	s24 =	sadd.s32 s0, s7;
	[dreg:$0x4] =	wrdreg s18  }
0xf: {  	s26 =	sadd.s32 s9, s25;
	s3 =	sadd.s32 s0, s22;
	[dreg:$0x6] =	wrdreg s20  }
0x10: {  	s6 =	sor.u32 $0xA000, s4;
	s28 =	sadd.s32 s9, s8;
	[dreg:$0x7] =	wrdreg s21  }
0x11: {  	s22 =	sadd.s32 s0, s11;
	s19 =	sadd.s32 s9, s14;
	[dreg:$0x8] =	wrdreg s23  }
0x12: {  	s16 =	sadd.s32 s9, s15;
	s17 =	sadd.s32 s0, s14;
	[dreg:$0x9] =	wrdreg s24  }
0x13: {  	s14 =	sadd.s32 s0, s15;
	s7 =	simm.s32 $0x3;
	[dreg:$0xa] =	wrdreg s26  }
0x14: {  	[dreg:$0xb] =	wrdreg s3;
	s30 =	sadd.s32 s9, s6;
	s3 =	sadd.s32 s0, s25  }
0x15: {  	s29 =	sadd.s32 s0, s6;
	s25 =	sadd.s32 s9, s10;
	s26 =	sadd.s32 s0, s8  }
0x16: {  	s23 =	sadd.s32 s9, s11;
	s24 =	sadd.s32 s0, s10;
	s18 =	sadd.s32 s9, s13  }
0x17: {  	[dreg:$0xd] =	wrdreg s19;
	s19 =	sadd.s32 s0, s13;
	s13 =	smax.u32 s1, $0x1  }
0x18: {  	s21 =	sadd.s32 s9, s12;
	s20 =	sadd.s32 s0, s12;
	p1 =	sne.s32 s13, $0x1  }
.Ltmp0:
0x19: {  	s6 =	sor.u32 $0x1A000, s4;
	s8 =	sor.u32 $0x1C000, s4;
	(pc) =	sbr.rel @!p1 .LBB2_3-.Ltmp0, $4  }
0x1a: {  	s10 =	sor.u32 $0x1E000, s4;
	s1 =	rddreg [dreg:$0x3];
	s15 =	sadd.s32 s9, s6  }
0x1b: {  	s11 =	sadd.s32 s0, s6;
	s12 =	sadd.s32 s9, s8;
	s5 =	sadd.s32 s9, s10  }
0x1c: {  	s9 =	sadd.s32 s0, s8;
	s4 =	sadd.s32 s0, s10;
	s13 =	sadd.s32 $0xFFFFFFFF, s13  }
0x1d: {  	s8 =	simm.s32 $0x10000;
	s10 =	simm.s32 $0x2;
	s6 =	simm.s32 $0x4  }
0x1e: {  	[tilespmem:s2], [sflag:$0x1] =	stream.linear.gather [hbm4b:s1+s2], $0x10000, $0x38;
	v63 =	vld [tilespmem:$0x0]  }
0x1f: {  	_ =	swait.ge [sflag:s31], $0x10000  }
0x20: {  	[sflag:s31] =	ssyncset.done $0x0  }
0x21: {  	s1 =	rddreg [dreg:$0x4];
	[sflag:s31] =	ssyncadd.s32 $0xFFFF0000  }
0x22: {  	[tilespmem:s8], [sflag:$0x2] =	stream.linear.gather [hbm4b:s1+s2], $0x10000, $0x38;
	v63 =	vld [tilespmem:$0x0]  }
0x23: {  	s0 =	rddreg [dreg:$0x5]  }
0x24: {  	[hbm4b:s0+s2] =	stream.linear.scatter [tilespmem:s2], [sflag:$0x3], $0x10000, $0x38;
	v63 =	vld [tilespmem:$0x0]  }
0x25: {  	_ =	swait.ge [sflag:s10], $0x10000  }
0x26: {  	[sflag:s10] =	ssyncset.done $0x0  }
0x27: {  	[sflag:s10] =	ssyncadd.s32 $0xFFFF0000  }
0x28: {  	_ =	swait.ge [sflag:s7], $0x10000  }
0x29: {  	[sflag:s7] =	ssyncset.done $0x0  }
0x2a: {  	s0 =	rddreg [dreg:$0x6];
	[sflag:s7] =	ssyncadd.s32 $0xFFFF0000  }
0x2b: {  	[tilespmem:s2], [sflag:$0x1] =	stream.linear.gather [hbm4b:s0+s2], $0x10000, $0x38;
	v63 =	vld [tilespmem:$0x0]  }
0x2c: {  	s1 =	rddreg [dreg:$0x7]  }
0x2d: {  	[hbm4b:s1+s2] =	stream.linear.scatter [tilespmem:s8], [sflag:$0x4], $0x10000, $0x38;
	v63 =	vld [tilespmem:$0x0]  }
0x2e: {  	_ =	swait.ge [sflag:s31], $0x10000  }
0x2f: {  	[sflag:s31] =	ssyncset.done $0x0  }
0x30: {  	[sflag:s31] =	ssyncadd.s32 $0xFFFF0000  }
0x31: {  	_ =	swait.ge [sflag:s6], $0x10000  }
0x32: {  	[sflag:s6] =	ssyncset.done $0x0  }
0x33: {  	s0 =	rddreg [dreg:$0x8];
	[sflag:s6] =	ssyncadd.s32 $0xFFFF0000  }
0x34: {  	[tilespmem:s8], [sflag:$0x2] =	stream.linear.gather [hbm4b:s0+s2], $0x10000, $0x38;
	v63 =	vld [tilespmem:$0x0]  }
0x35: {  	s1 =	rddreg [dreg:$0x9]  }
0x36: {  	[hbm4b:s1+s2] =	stream.linear.scatter [tilespmem:s2], [sflag:$0x3], $0x10000, $0x38;
	v63 =	vld [tilespmem:$0x0]  }
0x37: {  	_ =	swait.ge [sflag:s10], $0x10000  }
0x38: {  	[sflag:s10] =	ssyncset.done $0x0  }
0x39: {  	[sflag:s10] =	ssyncadd.s32 $0xFFFF0000  }
0x3a: {  	_ =	swait.ge [sflag:s7], $0x10000  }
0x3b: {  	[sflag:s7] =	ssyncset.done $0x0  }
0x3c: {  	s0 =	rddreg [dreg:$0xa];
	[sflag:s7] =	ssyncadd.s32 $0xFFFF0000  }
0x3d: {  	[tilespmem:s2], [sflag:$0x1] =	stream.linear.gather [hbm4b:s0+s2], $0x10000, $0x38;
	v63 =	vld [tilespmem:$0x0]  }
0x3e: {  	s1 =	rddreg [dreg:$0xb]  }
0x3f: {  	[hbm4b:s1+s2] =	stream.linear.scatter [tilespmem:s8], [sflag:$0x4], $0x10000, $0x38;
	v63 =	vld [tilespmem:$0x0]  }
0x40: {  	_ =	swait.ge [sflag:s31], $0x10000  }
0x41: {  	[sflag:s31] =	ssyncset.done $0x0  }
0x42: {  	[sflag:s31] =	ssyncadd.s32 $0xFFFF0000  }
0x43: {  	_ =	swait.ge [sflag:s6], $0x10000  }
0x44: {  	[sflag:s6] =	ssyncset.done $0x0  }
0x45: {  	[sflag:s6] =	ssyncadd.s32 $0xFFFF0000  }
0x46: {  	[tilespmem:s8], [sflag:$0x2] =	stream.linear.gather [hbm4b:s30+s2], $0x10000, $0x38;
	v63 =	vld [tilespmem:$0x0]  }
0x47: {  	_ = 	snop  }
0x48: {  	[hbm4b:s3+s2] =	stream.linear.scatter [tilespmem:s2], [sflag:$0x3], $0x10000, $0x38;
	v63 =	vld [tilespmem:$0x0]  }
0x49: {  	_ =	swait.ge [sflag:s10], $0x10000  }
0x4a: {  	[sflag:s10] =	ssyncset.done $0x0  }
0x4b: {  	[sflag:s10] =	ssyncadd.s32 $0xFFFF0000  }
0x4c: {  	_ =	swait.ge [sflag:s7], $0x10000  }
0x4d: {  	[sflag:s7] =	ssyncset.done $0x0  }
0x4e: {  	[sflag:s7] =	ssyncadd.s32 $0xFFFF0000  }
0x4f: {  	[tilespmem:s2], [sflag:$0x1] =	stream.linear.gather [hbm4b:s28+s2], $0x10000, $0x38;
	v63 =	vld [tilespmem:$0x0]  }
0x50: {  	_ = 	snop  }
0x51: {  	[hbm4b:s29+s2] =	stream.linear.scatter [tilespmem:s8], [sflag:$0x4], $0x10000, $0x38;
	v63 =	vld [tilespmem:$0x0]  }
0x52: {  	_ =	swait.ge [sflag:s31], $0x10000  }
0x53: {  	[sflag:s31] =	ssyncset.done $0x0  }
0x54: {  	[sflag:s31] =	ssyncadd.s32 $0xFFFF0000  }
0x55: {  	_ =	swait.ge [sflag:s6], $0x10000  }
0x56: {  	[sflag:s6] =	ssyncset.done $0x0  }
0x57: {  	[sflag:s6] =	ssyncadd.s32 $0xFFFF0000  }
0x58: {  	[tilespmem:s8], [sflag:$0x2] =	stream.linear.gather [hbm4b:s25+s2], $0x10000, $0x38;
	v63 =	vld [tilespmem:$0x0]  }
0x59: {  	_ = 	snop  }
0x5a: {  	[hbm4b:s26+s2] =	stream.linear.scatter [tilespmem:s2], [sflag:$0x3], $0x10000, $0x38;
	v63 =	vld [tilespmem:$0x0]  }
0x5b: {  	_ =	swait.ge [sflag:s10], $0x10000  }
0x5c: {  	[sflag:s10] =	ssyncset.done $0x0  }
0x5d: {  	[sflag:s10] =	ssyncadd.s32 $0xFFFF0000  }
0x5e: {  	_ =	swait.ge [sflag:s7], $0x10000  }
0x5f: {  	[sflag:s7] =	ssyncset.done $0x0  }
0x60: {  	[sflag:s7] =	ssyncadd.s32 $0xFFFF0000  }
0x61: {  	[tilespmem:s2], [sflag:$0x1] =	stream.linear.gather [hbm4b:s23+s2], $0x10000, $0x38;
	v63 =	vld [tilespmem:$0x0]  }
0x62: {  	_ = 	snop  }
0x63: {  	[hbm4b:s24+s2] =	stream.linear.scatter [tilespmem:s8], [sflag:$0x4], $0x10000, $0x38;
	v63 =	vld [tilespmem:$0x0]  }
0x64: {  	_ =	swait.ge [sflag:s31], $0x10000  }
0x65: {  	[sflag:s31] =	ssyncset.done $0x0  }
0x66: {  	[sflag:s31] =	ssyncadd.s32 $0xFFFF0000  }
0x67: {  	_ =	swait.ge [sflag:s6], $0x10000  }
0x68: {  	[sflag:s6] =	ssyncset.done $0x0  }
0x69: {  	[sflag:s6] =	ssyncadd.s32 $0xFFFF0000  }
0x6a: {  	[tilespmem:s8], [sflag:$0x2] =	stream.linear.gather [hbm4b:s21+s2], $0x10000, $0x38;
	v63 =	vld [tilespmem:$0x0]  }
0x6b: {  	_ = 	snop  }
0x6c: {  	[hbm4b:s22+s2] =	stream.linear.scatter [tilespmem:s2], [sflag:$0x3], $0x10000, $0x38;
	v63 =	vld [tilespmem:$0x0]  }
0x6d: {  	_ =	swait.ge [sflag:s10], $0x10000  }
0x6e: {  	[sflag:s10] =	ssyncset.done $0x0  }
0x6f: {  	[sflag:s10] =	ssyncadd.s32 $0xFFFF0000  }
0x70: {  	_ =	swait.ge [sflag:s7], $0x10000  }
0x71: {  	[sflag:s7] =	ssyncset.done $0x0  }
0x72: {  	[sflag:s7] =	ssyncadd.s32 $0xFFFF0000  }
0x73: {  	[tilespmem:s2], [sflag:$0x1] =	stream.linear.gather [hbm4b:s18+s2], $0x10000, $0x38;
	v63 =	vld [tilespmem:$0x0]  }
0x74: {  	_ = 	snop  }
0x75: {  	[hbm4b:s20+s2] =	stream.linear.scatter [tilespmem:s8], [sflag:$0x4], $0x10000, $0x38;
	v63 =	vld [tilespmem:$0x0]  }
0x76: {  	_ =	swait.ge [sflag:s31], $0x10000  }
0x77: {  	[sflag:s31] =	ssyncset.done $0x0  }
0x78: {  	[sflag:s31] =	ssyncadd.s32 $0xFFFF0000  }
0x79: {  	_ =	swait.ge [sflag:s6], $0x10000  }
0x7a: {  	[sflag:s6] =	ssyncset.done $0x0  }
0x7b: {  	s1 =	rddreg [dreg:$0xd];
	[sflag:s6] =	ssyncadd.s32 $0xFFFF0000  }
0x7c: {  	[tilespmem:s8], [sflag:$0x2] =	stream.linear.gather [hbm4b:s1+s2], $0x10000, $0x38;
	v63 =	vld [tilespmem:$0x0]  }
0x7d: {  	_ = 	snop  }
0x7e: {  	[hbm4b:s19+s2] =	stream.linear.scatter [tilespmem:s2], [sflag:$0x3], $0x10000, $0x38;
	v63 =	vld [tilespmem:$0x0]  }
0x7f: {  	_ =	swait.ge [sflag:s10], $0x10000  }
0x80: {  	[sflag:s10] =	ssyncset.done $0x0  }
0x81: {  	[sflag:s10] =	ssyncadd.s32 $0xFFFF0000  }
0x82: {  	_ =	swait.ge [sflag:s7], $0x10000  }
0x83: {  	[sflag:s7] =	ssyncset.done $0x0  }
0x84: {  	[sflag:s7] =	ssyncadd.s32 $0xFFFF0000  }
0x85: {  	[tilespmem:s2], [sflag:$0x1] =	stream.linear.gather [hbm4b:s16+s2], $0x10000, $0x38;
	v63 =	vld [tilespmem:$0x0]  }
0x86: {  	_ = 	snop  }
0x87: {  	[hbm4b:s17+s2] =	stream.linear.scatter [tilespmem:s8], [sflag:$0x4], $0x10000, $0x38;
	v63 =	vld [tilespmem:$0x0]  }
0x88: {  	_ =	swait.ge [sflag:s31], $0x10000  }
0x89: {  	[sflag:s31] =	ssyncset.done $0x0  }
0x8a: {  	[sflag:s31] =	ssyncadd.s32 $0xFFFF0000  }
0x8b: {  	_ =	swait.ge [sflag:s6], $0x10000  }
0x8c: {  	[sflag:s6] =	ssyncset.done $0x0  }
0x8d: {  	[sflag:s6] =	ssyncadd.s32 $0xFFFF0000  }
0x8e: {  	[tilespmem:s8], [sflag:$0x2] =	stream.linear.gather [hbm4b:s15+s2], $0x10000, $0x38;
	v63 =	vld [tilespmem:$0x0]  }
0x8f: {  	_ = 	snop  }
0x90: {  	[hbm4b:s14+s2] =	stream.linear.scatter [tilespmem:s2], [sflag:$0x3], $0x10000, $0x38;
	v63 =	vld [tilespmem:$0x0]  }
0x91: {  	_ =	swait.ge [sflag:s10], $0x10000  }
0x92: {  	[sflag:s10] =	ssyncset.done $0x0  }
0x93: {  	[sflag:s10] =	ssyncadd.s32 $0xFFFF0000  }
0x94: {  	_ =	swait.ge [sflag:s7], $0x10000  }
0x95: {  	[sflag:s7] =	ssyncset.done $0x0  }
0x96: {  	[sflag:s7] =	ssyncadd.s32 $0xFFFF0000  }
0x97: {  	[tilespmem:s2], [sflag:$0x1] =	stream.linear.gather [hbm4b:s12+s2], $0x10000, $0x38;
	v63 =	vld [tilespmem:$0x0]  }
0x98: {  	_ = 	snop  }
0x99: {  	[hbm4b:s11+s2] =	stream.linear.scatter [tilespmem:s8], [sflag:$0x4], $0x10000, $0x38;
	v63 =	vld [tilespmem:$0x0]  }
0x9a: {  	_ =	swait.ge [sflag:s31], $0x10000  }
0x9b: {  	[sflag:s31] =	ssyncset.done $0x0  }
0x9c: {  	[sflag:s31] =	ssyncadd.s32 $0xFFFF0000  }
0x9d: {  	_ =	swait.ge [sflag:s6], $0x10000  }
0x9e: {  	[sflag:s6] =	ssyncset.done $0x0  }
0x9f: {  	[sflag:s6] =	ssyncadd.s32 $0xFFFF0000  }
0xa0: {  	[tilespmem:s8], [sflag:$0x2] =	stream.linear.gather [hbm4b:s5+s2], $0x10000, $0x38;
	v63 =	vld [tilespmem:$0x0]  }
0xa1: {  	_ = 	snop  }
0xa2: {  	[hbm4b:s9+s2] =	stream.linear.scatter [tilespmem:s2], [sflag:$0x3], $0x10000, $0x38;
	v63 =	vld [tilespmem:$0x0]  }
0xa3: {  	_ =	swait.ge [sflag:s10], $0x10000  }
0xa4: {  	[sflag:s10] =	ssyncset.done $0x0  }
0xa5: {  	p1 =	sne.s32 s13, $0x1;
	[sflag:s10] =	ssyncadd.s32 $0xFFFF0000  }
0xa6: {  	[hbm4b:s4+s2] =	stream.linear.scatter [tilespmem:s8], [sflag:$0x4], $0x10000, $0x38;
	v63 =	vld [tilespmem:$0x0]  }
.Ltmp1:
0xa7: {  	_ =	swait.ge [sflag:s7], $0x10000;
	(pc) =	sbr.rel @!p1 .LBB2_3-.Ltmp1, $4  }
0xa8: {  	[sflag:s7] =	ssyncset.done $0x0  }
0xa9: {  	[sflag:s7] =	ssyncadd.s32 $0xFFFF0000  }
0xaa: {  	p0 =	por $0x1, $0x1;
	_ =	swait.ge [sflag:s6], $0x10000;
	[dreg:$0xc] =	wrdreg s3  }
0xab: {  	s0 =	sadd.s32 $0xFFFFFFFF, s13;
	s1 =	rddreg [dreg:$0x3];
	[sflag:s6] =	ssyncset.done $0x0  }
.LBB2_2:
0xac: {  	[sflag:s6] =	ssyncadd.s32 $0xFFFF0000  }
0xad: {  	[tilespmem:s2], [sflag:$0x1] =	stream.linear.gather [hbm4b:s1+s2], $0x10000, $0x38;
	v63 =	vld [tilespmem:$0x0]  }
0xae: {  	_ =	swait.ge [sflag:s31], $0x10000  }
0xaf: {  	[sflag:s31] =	ssyncset.done $0x0  }
0xb0: {  	s6 =	simm.s32 $0x10000;
	s1 =	rddreg [dreg:$0x4];
	[sflag:s31] =	ssyncadd.s32 $0xFFFF0000  }
0xb1: {  	[tilespmem:s6], [sflag:$0x2] =	stream.linear.gather [hbm4b:s1+s2], $0x10000, $0x38;
	v63 =	vld [tilespmem:$0x0]  }
0xb2: {  	s13 =	simm.s32 $0x2;
	s3 =	rddreg [dreg:$0x5]  }
0xb3: {  	[hbm4b:s3+s2] =	stream.linear.scatter [tilespmem:s2], [sflag:$0x3], $0x10000, $0x38;
	v63 =	vld [tilespmem:$0x0]  }
0xb4: {  	_ =	swait.ge [sflag:s13], $0x10000  }
0xb5: {  	[sflag:s13] =	ssyncset.done $0x0  }
0xb6: {  	s10 =	simm.s32 $0x3;
	s8 =	smov.u32 s30;
	[sflag:s13] =	ssyncadd.s32 $0xFFFF0000  }
0xb7: {  	s30 =	smov.u32 s29;
	s29 =	smov.u32 s28;
	_ =	swait.ge [sflag:s10], $0x10000  }
0xb8: {  	s28 =	smov.u32 s26;
	s26 =	smov.u32 s25;
	[sflag:s10] =	ssyncset.done $0x0  }
0xb9: {  	s25 =	smov.u32 s24;
	s13 =	rddreg [dreg:$0x6];
	[sflag:s10] =	ssyncadd.s32 $0xFFFF0000  }
0xba: {  	[tilespmem:s2], [sflag:$0x1] =	stream.linear.gather [hbm4b:s13+s2], $0x10000, $0x38;
	v63 =	vld [tilespmem:$0x0]  }
0xbb: {  	s24 =	smov.u32 s23;
	s23 =	smov.u32 s22;
	s22 =	rddreg [dreg:$0x7]  }
0xbc: {  	[hbm4b:s22+s2] =	stream.linear.scatter [tilespmem:s6], [sflag:$0x4], $0x10000, $0x38;
	v63 =	vld [tilespmem:$0x0]  }
0xbd: {  	_ =	swait.ge [sflag:s31], $0x10000  }
0xbe: {  	[sflag:s31] =	ssyncset.done $0x0  }
0xbf: {  	s7 =	simm.s32 $0x4;
	[sflag:s31] =	ssyncadd.s32 $0xFFFF0000  }
0xc0: {  	_ =	swait.ge [sflag:s7], $0x10000  }
0xc1: {  	[sflag:s7] =	ssyncset.done $0x0  }
0xc2: {  	s13 =	rddreg [dreg:$0x8];
	[sflag:s7] =	ssyncadd.s32 $0xFFFF0000  }
0xc3: {  	[tilespmem:s6], [sflag:$0x2] =	stream.linear.gather [hbm4b:s13+s2], $0x10000, $0x38;
	v63 =	vld [tilespmem:$0x0]  }
0xc4: {  	s10 =	simm.s32 $0x2;
	s22 =	rddreg [dreg:$0x9]  }
0xc5: {  	[hbm4b:s22+s2] =	stream.linear.scatter [tilespmem:s2], [sflag:$0x3], $0x10000, $0x38;
	v63 =	vld [tilespmem:$0x0]  }
0xc6: {  	_ =	swait.ge [sflag:s10], $0x10000  }
0xc7: {  	[sflag:s10] =	ssyncset.done $0x0  }
0xc8: {  	s7 =	simm.s32 $0x3;
	[sflag:s10] =	ssyncadd.s32 $0xFFFF0000  }
0xc9: {  	_ =	swait.ge [sflag:s7], $0x10000  }
0xca: {  	[sflag:s7] =	ssyncset.done $0x0  }
0xcb: {  	s3 =	rddreg [dreg:$0xa];
	[sflag:s7] =	ssyncadd.s32 $0xFFFF0000  }
0xcc: {  	[tilespmem:s2], [sflag:$0x1] =	stream.linear.gather [hbm4b:s3+s2], $0x10000, $0x38;
	v63 =	vld [tilespmem:$0x0]  }
0xcd: {  	s13 =	rddreg [dreg:$0xb]  }
0xce: {  	[hbm4b:s13+s2] =	stream.linear.scatter [tilespmem:s6], [sflag:$0x4], $0x10000, $0x38;
	v63 =	vld [tilespmem:$0x0]  }
0xcf: {  	s3 =	rddreg [dreg:$0xc];
	s13 =	smov.u32 s9;
	s9 =	smov.u32 s12  }
0xd0: {  	s12 =	smov.u32 s15;
	s15 =	rddreg [dreg:$0xd];
	_ =	swait.ge [sflag:s31], $0x10000  }
0xd1: {  	s22 =	smov.u32 s23;
	s23 =	smov.u32 s24;
	[sflag:s31] =	ssyncset.done $0x0  }
0xd2: {  	s24 =	smov.u32 s25;
	s6 =	simm.s32 $0x4;
	[sflag:s31] =	ssyncadd.s32 $0xFFFF0000  }
0xd3: {  	s25 =	smov.u32 s26;
	s26 =	smov.u32 s28;
	_ =	swait.ge [sflag:s6], $0x10000  }
0xd4: {  	s28 =	smov.u32 s29;
	s29 =	smov.u32 s30;
	[sflag:s6] =	ssyncset.done $0x0  }
0xd5: {  	s30 =	smov.u32 s8;
	s8 =	simm.s32 $0x10000;
	[sflag:s6] =	ssyncadd.s32 $0xFFFF0000  }
0xd6: {  	[tilespmem:s8], [sflag:$0x2] =	stream.linear.gather [hbm4b:s30+s2], $0x10000, $0x38;
	v63 =	vld [tilespmem:$0x0]  }
0xd7: {  	_ = 	snop  }
0xd8: {  	[hbm4b:s3+s2] =	stream.linear.scatter [tilespmem:s2], [sflag:$0x3], $0x10000, $0x38;
	v63 =	vld [tilespmem:$0x0]  }
0xd9: {  	_ =	swait.ge [sflag:s10], $0x10000  }
0xda: {  	[sflag:s10] =	ssyncset.done $0x0  }
0xdb: {  	[sflag:s10] =	ssyncadd.s32 $0xFFFF0000  }
0xdc: {  	_ =	swait.ge [sflag:s7], $0x10000  }
0xdd: {  	[sflag:s7] =	ssyncset.done $0x0  }
0xde: {  	[sflag:s7] =	ssyncadd.s32 $0xFFFF0000  }
0xdf: {  	[tilespmem:s2], [sflag:$0x1] =	stream.linear.gather [hbm4b:s28+s2], $0x10000, $0x38;
	v63 =	vld [tilespmem:$0x0]  }
0xe0: {  	_ = 	snop  }
0xe1: {  	[hbm4b:s29+s2] =	stream.linear.scatter [tilespmem:s8], [sflag:$0x4], $0x10000, $0x38;
	v63 =	vld [tilespmem:$0x0]  }
0xe2: {  	_ =	swait.ge [sflag:s31], $0x10000  }
0xe3: {  	[sflag:s31] =	ssyncset.done $0x0  }
0xe4: {  	[sflag:s31] =	ssyncadd.s32 $0xFFFF0000  }
0xe5: {  	_ =	swait.ge [sflag:s6], $0x10000  }
0xe6: {  	[sflag:s6] =	ssyncset.done $0x0  }
0xe7: {  	[sflag:s6] =	ssyncadd.s32 $0xFFFF0000  }
0xe8: {  	[tilespmem:s8], [sflag:$0x2] =	stream.linear.gather [hbm4b:s25+s2], $0x10000, $0x38;
	v63 =	vld [tilespmem:$0x0]  }
0xe9: {  	_ = 	snop  }
0xea: {  	[hbm4b:s26+s2] =	stream.linear.scatter [tilespmem:s2], [sflag:$0x3], $0x10000, $0x38;
	v63 =	vld [tilespmem:$0x0]  }
0xeb: {  	_ =	swait.ge [sflag:s10], $0x10000  }
0xec: {  	[sflag:s10] =	ssyncset.done $0x0  }
0xed: {  	[sflag:s10] =	ssyncadd.s32 $0xFFFF0000  }
0xee: {  	_ =	swait.ge [sflag:s7], $0x10000  }
0xef: {  	[sflag:s7] =	ssyncset.done $0x0  }
0xf0: {  	[sflag:s7] =	ssyncadd.s32 $0xFFFF0000  }
0xf1: {  	[tilespmem:s2], [sflag:$0x1] =	stream.linear.gather [hbm4b:s23+s2], $0x10000, $0x38;
	v63 =	vld [tilespmem:$0x0]  }
0xf2: {  	_ = 	snop  }
0xf3: {  	[hbm4b:s24+s2] =	stream.linear.scatter [tilespmem:s8], [sflag:$0x4], $0x10000, $0x38;
	v63 =	vld [tilespmem:$0x0]  }
0xf4: {  	_ =	swait.ge [sflag:s31], $0x10000  }
0xf5: {  	[sflag:s31] =	ssyncset.done $0x0  }
0xf6: {  	[sflag:s31] =	ssyncadd.s32 $0xFFFF0000  }
0xf7: {  	_ =	swait.ge [sflag:s6], $0x10000  }
0xf8: {  	[sflag:s6] =	ssyncset.done $0x0  }
0xf9: {  	[sflag:s6] =	ssyncadd.s32 $0xFFFF0000  }
0xfa: {  	[tilespmem:s8], [sflag:$0x2] =	stream.linear.gather [hbm4b:s21+s2], $0x10000, $0x38;
	v63 =	vld [tilespmem:$0x0]  }
0xfb: {  	_ = 	snop  }
0xfc: {  	[hbm4b:s22+s2] =	stream.linear.scatter [tilespmem:s2], [sflag:$0x3], $0x10000, $0x38;
	v63 =	vld [tilespmem:$0x0]  }
0xfd: {  	_ =	swait.ge [sflag:s10], $0x10000  }
0xfe: {  	[sflag:s10] =	ssyncset.done $0x0  }
0xff: {  	[sflag:s10] =	ssyncadd.s32 $0xFFFF0000  }
0x100: {  	_ =	swait.ge [sflag:s7], $0x10000  }
0x101: {  	[sflag:s7] =	ssyncset.done $0x0  }
0x102: {  	[sflag:s7] =	ssyncadd.s32 $0xFFFF0000  }
0x103: {  	[tilespmem:s2], [sflag:$0x1] =	stream.linear.gather [hbm4b:s18+s2], $0x10000, $0x38;
	v63 =	vld [tilespmem:$0x0]  }
0x104: {  	_ = 	snop  }
0x105: {  	[hbm4b:s20+s2] =	stream.linear.scatter [tilespmem:s8], [sflag:$0x4], $0x10000, $0x38;
	v63 =	vld [tilespmem:$0x0]  }
0x106: {  	_ =	swait.ge [sflag:s31], $0x10000  }
0x107: {  	[sflag:s31] =	ssyncset.done $0x0  }
0x108: {  	[sflag:s31] =	ssyncadd.s32 $0xFFFF0000  }
0x109: {  	_ =	swait.ge [sflag:s6], $0x10000  }
0x10a: {  	[sflag:s6] =	ssyncset.done $0x0  }
0x10b: {  	[sflag:s6] =	ssyncadd.s32 $0xFFFF0000  }
0x10c: {  	[tilespmem:s8], [sflag:$0x2] =	stream.linear.gather [hbm4b:s15+s2], $0x10000, $0x38;
	v63 =	vld [tilespmem:$0x0]  }
0x10d: {  	_ = 	snop  }
0x10e: {  	[hbm4b:s19+s2] =	stream.linear.scatter [tilespmem:s2], [sflag:$0x3], $0x10000, $0x38;
	v63 =	vld [tilespmem:$0x0]  }
0x10f: {  	_ =	swait.ge [sflag:s10], $0x10000  }
0x110: {  	[sflag:s10] =	ssyncset.done $0x0  }
0x111: {  	[sflag:s10] =	ssyncadd.s32 $0xFFFF0000  }
0x112: {  	s1 =	smov.u32 s4;
	_ =	swait.ge [sflag:s7], $0x10000  }
0x113: {  	s4 =	smov.u32 s5;
	s5 =	smov.u32 s11;
	[sflag:s7] =	ssyncset.done $0x0  }
0x114: {  	s11 =	smov.u32 s14;
	s14 =	smov.u32 s16;
	[sflag:s7] =	ssyncadd.s32 $0xFFFF0000  }
0x115: {  	[tilespmem:s2], [sflag:$0x1] =	stream.linear.gather [hbm4b:s14+s2], $0x10000, $0x38;
	v63 =	vld [tilespmem:$0x0]  }
0x116: {  	_ = 	snop  }
0x117: {  	[hbm4b:s17+s2] =	stream.linear.scatter [tilespmem:s8], [sflag:$0x4], $0x10000, $0x38;
	v63 =	vld [tilespmem:$0x0]  }
0x118: {  	_ =	swait.ge [sflag:s31], $0x10000  }
0x119: {  	[sflag:s31] =	ssyncset.done $0x0  }
0x11a: {  	[sflag:s31] =	ssyncadd.s32 $0xFFFF0000  }
0x11b: {  	_ =	swait.ge [sflag:s6], $0x10000  }
0x11c: {  	[sflag:s6] =	ssyncset.done $0x0  }
0x11d: {  	[sflag:s6] =	ssyncadd.s32 $0xFFFF0000  }
0x11e: {  	[tilespmem:s8], [sflag:$0x2] =	stream.linear.gather [hbm4b:s12+s2], $0x10000, $0x38;
	v63 =	vld [tilespmem:$0x0]  }
0x11f: {  	_ = 	snop  }
0x120: {  	[hbm4b:s11+s2] =	stream.linear.scatter [tilespmem:s2], [sflag:$0x3], $0x10000, $0x38;
	v63 =	vld [tilespmem:$0x0]  }
0x121: {  	_ =	swait.ge [sflag:s10], $0x10000  }
0x122: {  	[sflag:s10] =	ssyncset.done $0x0  }
0x123: {  	[sflag:s10] =	ssyncadd.s32 $0xFFFF0000  }
0x124: {  	_ =	swait.ge [sflag:s7], $0x10000  }
0x125: {  	[sflag:s7] =	ssyncset.done $0x0  }
0x126: {  	[sflag:s7] =	ssyncadd.s32 $0xFFFF0000  }
0x127: {  	[tilespmem:s2], [sflag:$0x1] =	stream.linear.gather [hbm4b:s9+s2], $0x10000, $0x38;
	v63 =	vld [tilespmem:$0x0]  }
0x128: {  	_ = 	snop  }
0x129: {  	[hbm4b:s5+s2] =	stream.linear.scatter [tilespmem:s8], [sflag:$0x4], $0x10000, $0x38;
	v63 =	vld [tilespmem:$0x0]  }
0x12a: {  	_ =	swait.ge [sflag:s31], $0x10000  }
0x12b: {  	[sflag:s31] =	ssyncset.done $0x0  }
0x12c: {  	[sflag:s31] =	ssyncadd.s32 $0xFFFF0000  }
0x12d: {  	_ =	swait.ge [sflag:s6], $0x10000  }
0x12e: {  	[sflag:s6] =	ssyncset.done $0x0  }
0x12f: {  	[sflag:s6] =	ssyncadd.s32 $0xFFFF0000  }
0x130: {  	[tilespmem:s8], [sflag:$0x2] =	stream.linear.gather [hbm4b:s4+s2], $0x10000, $0x38;
	v63 =	vld [tilespmem:$0x0]  }
0x131: {  	_ = 	snop  }
0x132: {  	[hbm4b:s13+s2] =	stream.linear.scatter [tilespmem:s2], [sflag:$0x3], $0x10000, $0x38;
	v63 =	vld [tilespmem:$0x0]  }
0x133: {  	_ =	swait.ge [sflag:s10], $0x10000  }
0x134: {  	[sflag:s10] =	ssyncset.done $0x0  }
0x135: {  	p1 =	sne.s32 s0, $0x1;
	s0 =	sadd.s32 $0xFFFFFFFF, s0;
	[sflag:s10] =	ssyncadd.s32 $0xFFFF0000  }
0x136: {  	[hbm4b:s1+s2] =	stream.linear.scatter [tilespmem:s8], [sflag:$0x4], $0x10000, $0x38;
	v63 =	vld [tilespmem:$0x0]  }
.Ltmp2:
0x137: {  	s16 =	smov.u32 s14;
	_ =	swait.ge [sflag:s7], $0x10000;
	(pc) =	sbr.rel @p1 .LBB2_2-.Ltmp2, $4  }
0x138: {  	s15 =	smov.u32 s12;
	s14 =	smov.u32 s11;
	[sflag:s7] =	ssyncset.done $0x0  }
0x139: {  	s12 =	smov.u32 s9;
	s11 =	smov.u32 s5;
	[sflag:s7] =	ssyncadd.s32 $0xFFFF0000  }
0x13a: {  	s9 =	smov.u32 s13;
	s5 =	smov.u32 s4;
	_ =	swait.ge [sflag:s6], $0x10000  }
0x13b: {  	s4 =	smov.u32 s1;
	s1 =	rddreg [dreg:$0x3];
	[sflag:s6] =	ssyncset.done $0x0  }
.LBB2_3:
0x13c: {  	[sflag:s6] =	ssyncadd.s32 @p0 $0xFFFF0000  }
0x13d: {  	[tilespmem:s2], [sflag:$0x1] =	stream.linear.gather [hbm4b:s1+s2], $0x10000, $0x38;
	v63 =	vld [tilespmem:$0x0]  }
0x13e: {  	_ =	swait.ge [sflag:s31], $0x10000  }
0x13f: {  	[sflag:s31] =	ssyncset.done $0x0  }
0x140: {  	s0 =	rddreg [dreg:$0x4];
	[sflag:s31] =	ssyncadd.s32 $0xFFFF0000  }
0x141: {  	[tilespmem:s8], [sflag:$0x2] =	stream.linear.gather [hbm4b:s0+s2], $0x10000, $0x38;
	v63 =	vld [tilespmem:$0x0]  }
0x142: {  	s13 =	rddreg [dreg:$0x5]  }
0x143: {  	[hbm4b:s13+s2] =	stream.linear.scatter [tilespmem:s2], [sflag:$0x3], $0x10000, $0x38;
	v63 =	vld [tilespmem:$0x0]  }
0x144: {  	_ =	swait.ge [sflag:s10], $0x10000  }
0x145: {  	[sflag:s10] =	ssyncset.done $0x0  }
0x146: {  	[sflag:s10] =	ssyncadd.s32 $0xFFFF0000  }
0x147: {  	_ =	swait.ge [sflag:s7], $0x10000  }
0x148: {  	[sflag:s7] =	ssyncset.done $0x0  }
0x149: {  	s1 =	rddreg [dreg:$0x6];
	[sflag:s7] =	ssyncadd.s32 $0xFFFF0000  }
0x14a: {  	[tilespmem:s2], [sflag:$0x1] =	stream.linear.gather [hbm4b:s1+s2], $0x10000, $0x38;
	v63 =	vld [tilespmem:$0x0]  }
0x14b: {  	s13 =	rddreg [dreg:$0x7]  }
0x14c: {  	[hbm4b:s13+s2] =	stream.linear.scatter [tilespmem:s8], [sflag:$0x4], $0x10000, $0x38;
	v63 =	vld [tilespmem:$0x0]  }
0x14d: {  	_ =	swait.ge [sflag:s31], $0x10000  }
0x14e: {  	[sflag:s31] =	ssyncset.done $0x0  }
0x14f: {  	[sflag:s31] =	ssyncadd.s32 $0xFFFF0000  }
0x150: {  	_ =	swait.ge [sflag:s6], $0x10000  }
0x151: {  	[sflag:s6] =	ssyncset.done $0x0  }
0x152: {  	s1 =	rddreg [dreg:$0x8];
	[sflag:s6] =	ssyncadd.s32 $0xFFFF0000  }
0x153: {  	[tilespmem:s8], [sflag:$0x2] =	stream.linear.gather [hbm4b:s1+s2], $0x10000, $0x38;
	v63 =	vld [tilespmem:$0x0]  }
0x154: {  	s13 =	rddreg [dreg:$0x9]  }
0x155: {  	[hbm4b:s13+s2] =	stream.linear.scatter [tilespmem:s2], [sflag:$0x3], $0x10000, $0x38;
	v63 =	vld [tilespmem:$0x0]  }
0x156: {  	_ =	swait.ge [sflag:s10], $0x10000  }
0x157: {  	[sflag:s10] =	ssyncset.done $0x0  }
0x158: {  	[sflag:s10] =	ssyncadd.s32 $0xFFFF0000  }
0x159: {  	_ =	swait.ge [sflag:s7], $0x10000  }
0x15a: {  	[sflag:s7] =	ssyncset.done $0x0  }
0x15b: {  	s1 =	rddreg [dreg:$0xa];
	[sflag:s7] =	ssyncadd.s32 $0xFFFF0000  }
0x15c: {  	[tilespmem:s2], [sflag:$0x1] =	stream.linear.gather [hbm4b:s1+s2], $0x10000, $0x38;
	v63 =	vld [tilespmem:$0x0]  }
0x15d: {  	s13 =	rddreg [dreg:$0xb]  }
0x15e: {  	[hbm4b:s13+s2] =	stream.linear.scatter [tilespmem:s8], [sflag:$0x4], $0x10000, $0x38;
	v63 =	vld [tilespmem:$0x0]  }
0x15f: {  	_ =	swait.ge [sflag:s31], $0x10000  }
0x160: {  	[sflag:s31] =	ssyncset.done $0x0  }
0x161: {  	[sflag:s31] =	ssyncadd.s32 $0xFFFF0000  }
0x162: {  	_ =	swait.ge [sflag:s6], $0x10000  }
0x163: {  	[sflag:s6] =	ssyncset.done $0x0  }
0x164: {  	[sflag:s6] =	ssyncadd.s32 $0xFFFF0000  }
0x165: {  	[tilespmem:s8], [sflag:$0x2] =	stream.linear.gather [hbm4b:s30+s2], $0x10000, $0x38;
	v63 =	vld [tilespmem:$0x0]  }
0x166: {  	_ = 	snop  }
0x167: {  	[hbm4b:s3+s2] =	stream.linear.scatter [tilespmem:s2], [sflag:$0x3], $0x10000, $0x38;
	v63 =	vld [tilespmem:$0x0]  }
0x168: {  	_ =	swait.ge [sflag:s10], $0x10000  }
0x169: {  	[sflag:s10] =	ssyncset.done $0x0  }
0x16a: {  	[sflag:s10] =	ssyncadd.s32 $0xFFFF0000  }
0x16b: {  	_ =	swait.ge [sflag:s7], $0x10000  }
0x16c: {  	[sflag:s7] =	ssyncset.done $0x0  }
0x16d: {  	[sflag:s7] =	ssyncadd.s32 $0xFFFF0000  }
0x16e: {  	[tilespmem:s2], [sflag:$0x1] =	stream.linear.gather [hbm4b:s28+s2], $0x10000, $0x38;
	v63 =	vld [tilespmem:$0x0]  }
0x16f: {  	_ = 	snop  }
0x170: {  	[hbm4b:s29+s2] =	stream.linear.scatter [tilespmem:s8], [sflag:$0x4], $0x10000, $0x38;
	v63 =	vld [tilespmem:$0x0]  }
0x171: {  	_ =	swait.ge [sflag:s31], $0x10000  }
0x172: {  	[sflag:s31] =	ssyncset.done $0x0  }
0x173: {  	[sflag:s31] =	ssyncadd.s32 $0xFFFF0000  }
0x174: {  	_ =	swait.ge [sflag:s6], $0x10000  }
0x175: {  	[sflag:s6] =	ssyncset.done $0x0  }
0x176: {  	[sflag:s6] =	ssyncadd.s32 $0xFFFF0000  }
0x177: {  	[tilespmem:s8], [sflag:$0x2] =	stream.linear.gather [hbm4b:s25+s2], $0x10000, $0x38;
	v63 =	vld [tilespmem:$0x0]  }
0x178: {  	_ = 	snop  }
0x179: {  	[hbm4b:s26+s2] =	stream.linear.scatter [tilespmem:s2], [sflag:$0x3], $0x10000, $0x38;
	v63 =	vld [tilespmem:$0x0]  }
0x17a: {  	_ =	swait.ge [sflag:s10], $0x10000  }
0x17b: {  	[sflag:s10] =	ssyncset.done $0x0  }
0x17c: {  	[sflag:s10] =	ssyncadd.s32 $0xFFFF0000  }
0x17d: {  	_ =	swait.ge [sflag:s7], $0x10000  }
0x17e: {  	[sflag:s7] =	ssyncset.done $0x0  }
0x17f: {  	[sflag:s7] =	ssyncadd.s32 $0xFFFF0000  }
0x180: {  	[tilespmem:s2], [sflag:$0x1] =	stream.linear.gather [hbm4b:s23+s2], $0x10000, $0x38;
	v63 =	vld [tilespmem:$0x0]  }
0x181: {  	_ = 	snop  }
0x182: {  	[hbm4b:s24+s2] =	stream.linear.scatter [tilespmem:s8], [sflag:$0x4], $0x10000, $0x38;
	v63 =	vld [tilespmem:$0x0]  }
0x183: {  	_ =	swait.ge [sflag:s31], $0x10000  }
0x184: {  	[sflag:s31] =	ssyncset.done $0x0  }
0x185: {  	[sflag:s31] =	ssyncadd.s32 $0xFFFF0000  }
0x186: {  	_ =	swait.ge [sflag:s6], $0x10000  }
0x187: {  	[sflag:s6] =	ssyncset.done $0x0  }
0x188: {  	[sflag:s6] =	ssyncadd.s32 $0xFFFF0000  }
0x189: {  	[tilespmem:s8], [sflag:$0x2] =	stream.linear.gather [hbm4b:s21+s2], $0x10000, $0x38;
	v63 =	vld [tilespmem:$0x0]  }
0x18a: {  	_ = 	snop  }
0x18b: {  	[hbm4b:s22+s2] =	stream.linear.scatter [tilespmem:s2], [sflag:$0x3], $0x10000, $0x38;
	v63 =	vld [tilespmem:$0x0]  }
0x18c: {  	_ =	swait.ge [sflag:s10], $0x10000  }
0x18d: {  	[sflag:s10] =	ssyncset.done $0x0  }
0x18e: {  	[sflag:s10] =	ssyncadd.s32 $0xFFFF0000  }
0x18f: {  	_ =	swait.ge [sflag:s7], $0x10000  }
0x190: {  	[sflag:s7] =	ssyncset.done $0x0  }
0x191: {  	[sflag:s7] =	ssyncadd.s32 $0xFFFF0000  }
0x192: {  	[tilespmem:s2], [sflag:$0x1] =	stream.linear.gather [hbm4b:s18+s2], $0x10000, $0x38;
	v63 =	vld [tilespmem:$0x0]  }
0x193: {  	_ = 	snop  }
0x194: {  	[hbm4b:s20+s2] =	stream.linear.scatter [tilespmem:s8], [sflag:$0x4], $0x10000, $0x38;
	v63 =	vld [tilespmem:$0x0]  }
0x195: {  	_ =	swait.ge [sflag:s31], $0x10000  }
0x196: {  	[sflag:s31] =	ssyncset.done $0x0  }
0x197: {  	[sflag:s31] =	ssyncadd.s32 $0xFFFF0000  }
0x198: {  	_ =	swait.ge [sflag:s6], $0x10000  }
0x199: {  	[sflag:s6] =	ssyncset.done $0x0  }
0x19a: {  	s30 =	rddreg [dreg:$0xd];
	[sflag:s6] =	ssyncadd.s32 $0xFFFF0000  }
0x19b: {  	[tilespmem:s8], [sflag:$0x2] =	stream.linear.gather [hbm4b:s30+s2], $0x10000, $0x38;
	v63 =	vld [tilespmem:$0x0]  }
0x19c: {  	_ = 	snop  }
0x19d: {  	[hbm4b:s19+s2] =	stream.linear.scatter [tilespmem:s2], [sflag:$0x3], $0x10000, $0x38;
	v63 =	vld [tilespmem:$0x0]  }
0x19e: {  	_ =	swait.ge [sflag:s10], $0x10000  }
0x19f: {  	[sflag:s10] =	ssyncset.done $0x0  }
0x1a0: {  	[sflag:s10] =	ssyncadd.s32 $0xFFFF0000  }
0x1a1: {  	_ =	swait.ge [sflag:s7], $0x10000  }
0x1a2: {  	[sflag:s7] =	ssyncset.done $0x0  }
0x1a3: {  	[sflag:s7] =	ssyncadd.s32 $0xFFFF0000  }
0x1a4: {  	[tilespmem:s2], [sflag:$0x1] =	stream.linear.gather [hbm4b:s16+s2], $0x10000, $0x38;
	v63 =	vld [tilespmem:$0x0]  }
0x1a5: {  	_ = 	snop  }
0x1a6: {  	[hbm4b:s17+s2] =	stream.linear.scatter [tilespmem:s8], [sflag:$0x4], $0x10000, $0x38;
	v63 =	vld [tilespmem:$0x0]  }
0x1a7: {  	_ =	swait.ge [sflag:s31], $0x10000  }
0x1a8: {  	[sflag:s31] =	ssyncset.done $0x0  }
0x1a9: {  	[sflag:s31] =	ssyncadd.s32 $0xFFFF0000  }
0x1aa: {  	_ =	swait.ge [sflag:s6], $0x10000  }
0x1ab: {  	[sflag:s6] =	ssyncset.done $0x0  }
0x1ac: {  	[sflag:s6] =	ssyncadd.s32 $0xFFFF0000  }
0x1ad: {  	[tilespmem:s8], [sflag:$0x2] =	stream.linear.gather [hbm4b:s15+s2], $0x10000, $0x38;
	v63 =	vld [tilespmem:$0x0]  }
0x1ae: {  	_ = 	snop  }
0x1af: {  	[hbm4b:s14+s2] =	stream.linear.scatter [tilespmem:s2], [sflag:$0x3], $0x10000, $0x38;
	v63 =	vld [tilespmem:$0x0]  }
0x1b0: {  	_ =	swait.ge [sflag:s10], $0x10000  }
0x1b1: {  	[sflag:s10] =	ssyncset.done $0x0  }
0x1b2: {  	[sflag:s10] =	ssyncadd.s32 $0xFFFF0000  }
0x1b3: {  	_ =	swait.ge [sflag:s7], $0x10000  }
0x1b4: {  	[sflag:s7] =	ssyncset.done $0x0  }
0x1b5: {  	[sflag:s7] =	ssyncadd.s32 $0xFFFF0000  }
0x1b6: {  	[tilespmem:s2], [sflag:$0x1] =	stream.linear.gather [hbm4b:s12+s2], $0x10000, $0x38;
	v63 =	vld [tilespmem:$0x0]  }
0x1b7: {  	_ = 	snop  }
0x1b8: {  	[hbm4b:s11+s2] =	stream.linear.scatter [tilespmem:s8], [sflag:$0x4], $0x10000, $0x38;
	v63 =	vld [tilespmem:$0x0]  }
0x1b9: {  	_ =	swait.ge [sflag:s31], $0x10000  }
0x1ba: {  	[sflag:s31] =	ssyncset.done $0x0  }
0x1bb: {  	[sflag:s31] =	ssyncadd.s32 $0xFFFF0000  }
0x1bc: {  	_ =	swait.ge [sflag:s6], $0x10000  }
0x1bd: {  	[sflag:s6] =	ssyncset.done $0x0  }
0x1be: {  	[sflag:s6] =	ssyncadd.s32 $0xFFFF0000  }
0x1bf: {  	[tilespmem:s8], [sflag:$0x2] =	stream.linear.gather [hbm4b:s5+s2], $0x10000, $0x38;
	v63 =	vld [tilespmem:$0x0]  }
0x1c0: {  	_ = 	snop  }
0x1c1: {  	[hbm4b:s9+s2] =	stream.linear.scatter [tilespmem:s2], [sflag:$0x3], $0x10000, $0x38;
	v63 =	vld [tilespmem:$0x0]  }
0x1c2: {  	_ =	swait.ge [sflag:s10], $0x10000  }
0x1c3: {  	[sflag:s10] =	ssyncset.done $0x0  }
0x1c4: {  	[sflag:s10] =	ssyncadd.s32 $0xFFFF0000  }
0x1c5: {  	[hbm4b:s4+s2] =	stream.linear.scatter [tilespmem:s8], [sflag:$0x4], $0x10000, $0x38;
	v63 =	vld [tilespmem:$0x0]  }
0x1c6: {  	_ =	swait.ge [sflag:s7], $0x10000  }
0x1c7: {  	[sflag:s7] =	ssyncset.done $0x0  }
0x1c8: {  	[sflag:s7] =	ssyncadd.s32 $0xFFFF0000  }
0x1c9: {  	_ =	swait.ge [sflag:s6], $0x10000  }
0x1ca: {  	[sflag:s6] =	ssyncset.done $0x0  }
0x1cb: {  	[sflag:s6] =	ssyncadd.s32 $0xFFFF0000  }
0x1cc: {  	_ =	sfence.sel $0x180000  }
0x1cd: {  	[bflag:$0x0] =	sbarrier.arrive $0xFFFF  }
0x1ce: {  	_ =	strace $0x90000047  }
0x1cf: {  	s31 =	stileid.u32;
	[bflag:$0x2] =	sbarrier.arrive $0xFFFF  }
0x1d0: {  	p0 =	sne.s32 s31, $0x0;
	s0 =	rddreg [dreg:$0x2]  }
0x1d1: {  	s0 =	sadd.s32 @!p0 $0x100000, s0  }
0x1d2: {  	[sflag:s0] =	ssyncadd.tile.s32 @!p0 $0x1;
	_ =	shalt  }
.Lfunc_end2:
_tile_overlayer_lowered:
.L_overlay_start_2:
0x1d3: {  	(tag) =	ssettag $0x2  }
0x1d4: {  	s0 =	rddreg [dreg:$0x0];
	s2 =	stileid.u32  }
0x1d5: {  	s1 =	rddreg [dreg:$0x1];
	p0 =	sne.s32 s2, $0x0  }
0x1d6: {  	s3 =	rddreg [dreg:$0x2];
	[bflag:$0x3] =	sbarrier.arrive $0xFFFF;
	s2 =	simm.s32 @!p0 $0x1C05  }
0x1d7: {  	[timem:s3], [sflag:s2] =	dma.local @!p0 [hbm:s0], s1  }
0x1d8: {  	s0 =	simm.s32 @!p0 $0x5  }
0x1d9: {  	_ =	swait.ge @!p0 [sflag:s0], s1  }
0x1da: {  	s1 =	ssub.s32 @!p0 $0x0, s1;
	[sflag:s0] =	ssyncset.done @!p0 $0x0  }
0x1db: {  	[sflag:s0] =	ssyncadd.s32 @!p0 s1  }
0x1dc: {  	[bflag:$0x3] =	sbarrier.arrive $0xFFFF  }
0x1dd: {  	_ =	shalt  }

</sc_bundles>
